<compile_context>
chip_gen: v7x
topology: tpu7x:2x2x1
jax: 0.10.2.dev20260603
libtpu: 0.0.44.dev20260713+nightly
codegen_flags: <defaults>
</compile_context>

<pallas_src>
import functools

import jax
import jax.numpy as jnp
from jax import lax
from jax.experimental import pallas as pl
from jax.experimental.pallas import tpu as pltpu
from jax.experimental.pallas import tpu_sc as plsc

N = 10000
E = 320000
D = 128
DV = 144
NC = 2
NS = 16
NW = NC * NS
EPW = E // NW
CHUNK = 80
NCH = EPW // CHUNK
BN = 400
DEGW = 16

_mesh = plsc.VectorSubcoreMesh(core_axis_name="c", subcore_axis_name="s")
_sc_params = pltpu.CompilerParams(use_tc_tiling_on_sc=False)


@functools.partial(
    pl.kernel,
    out_type=jax.ShapeDtypeStruct((NC, N, DEGW), jnp.float32),
    mesh=_mesh,
    scratch_types=[
        pltpu.VMEM((NCH, CHUNK), jnp.int32),
        pltpu.VMEM((CHUNK, DEGW), jnp.float32),
        pltpu.VMEM_SHARED((N, DEGW), jnp.float32),
    ],
    compiler_params=_sc_params,
)
def _deg_kernel(row_hbm, ones_hbm, zeros_hbm, out_hbm, idx_v, ones_v, acc):
    c = lax.axis_index("c")
    s = lax.axis_index("s")
    wid = s * NC + c
    pltpu.sync_copy(row_hbm.at[wid], idx_v)
    pltpu.sync_copy(ones_hbm, ones_v)

    @pl.when(s == 0)
    def _():
        pltpu.sync_copy(zeros_hbm, acc)

    plsc.subcore_barrier()

    def body(j, carry):
        pltpu.sync_copy(ones_v, acc.at[idx_v.at[j]], add=True)
        return carry

    lax.fori_loop(0, NCH, body, 0)
    plsc.subcore_barrier()

    @pl.when(s == 0)
    def _():
        pltpu.sync_copy(acc, out_hbm.at[c])


@functools.partial(
    pl.kernel,
    out_type=jax.ShapeDtypeStruct((NC, N, DV), jnp.float32),
    mesh=_mesh,
    scratch_types=[
        pltpu.VMEM((NCH, CHUNK), jnp.int32),
        pltpu.VMEM((NCH, CHUNK), jnp.int32),
        pltpu.VMEM((CHUNK, DV), jnp.float32),
        pltpu.VMEM_SHARED((N, DV), jnp.float32),
    ],
    compiler_params=_sc_params,
)
def _spmm_kernel(v_hbm, col_hbm, row_hbm, zeros_hbm, out_hbm,
                 colv, rowv, buf, acc):
    c = lax.axis_index("c")
    s = lax.axis_index("s")
    wid = s * NC + c
    pltpu.sync_copy(col_hbm.at[wid], colv)
    pltpu.sync_copy(row_hbm.at[wid], rowv)

    @pl.when(s == 0)
    def _():
        pltpu.sync_copy(zeros_hbm, acc)

    plsc.subcore_barrier()

    def body(j, carry):
        pltpu.sync_copy(v_hbm.at[colv.at[j]], buf)
        pltpu.sync_copy(buf, acc.at[rowv.at[j]], add=True)
        return carry

    lax.fori_loop(0, NCH, body, 0)
    plsc.subcore_barrier()

    @pl.when(s == 0)
    def _():
        pltpu.sync_copy(acc, out_hbm.at[c])


def _prep_body(deg_ref, x_ref, m_ref, v_ref, dis_ref):
    deg = deg_ref[0, :, 0:1] + deg_ref[1, :, 0:1]
    dis = jnp.where(deg > 0.0, lax.rsqrt(jnp.maximum(deg, 1.0)), 0.0)
    g = dis * m_ref[...]
    xb = x_ref[...]
    xb = jnp.where(jnp.isnan(xb), 0.0, xb)
    v_ref[:, 0:D] = g * xb
    col16 = lax.broadcasted_iota(jnp.int32, (BN, DV - D), 1)
    tail = jnp.where(col16 == 0, g, jnp.where(col16 == 1, dis, 0.0))
    v_ref[:, D:DV] = tail
    dis_ref[...] = dis


def _final_body(vp_ref, dis_ref, w_ref, b_ref, o_ref):
    vs = vp_ref[0] + vp_ref[1]
    brow = vs[:, 0:D]
    tail = vs[:, D:DV]
    col16 = lax.broadcasted_iota(jnp.int32, (BN, DV - D), 1)
    cc = jnp.sum(jnp.where(col16 == 0, tail, 0.0), axis=1, keepdims=True)
    tt = jnp.sum(jnp.where(col16 == 1, tail, 0.0), axis=1, keepdims=True)
    dis = dis_ref[...]
    cz = cc == 0.0
    scale = jnp.where(cz, 0.0, dis * tt / jnp.where(cz, 1.0, cc))
    ratio = scale * brow
    acc = lax.dot_general(ratio, w_ref[...], (((1,), (1,)), ((), ())),
                          preferred_element_type=jnp.float32)
    o_ref[...] = acc + b_ref[...]


_prep = pl.pallas_call(
    _prep_body,
    grid=(N // BN,),
    in_specs=[
        pl.BlockSpec((NC, BN, DEGW), lambda i: (0, i, 0)),
        pl.BlockSpec((BN, D), lambda i: (i, 0)),
        pl.BlockSpec((BN, 1), lambda i: (i, 0)),
    ],
    out_specs=[
        pl.BlockSpec((BN, DV), lambda i: (i, 0)),
        pl.BlockSpec((BN, 1), lambda i: (i, 0)),
    ],
    out_shape=[
        jax.ShapeDtypeStruct((N, DV), jnp.float32),
        jax.ShapeDtypeStruct((N, 1), jnp.float32),
    ],
)

_final = pl.pallas_call(
    _final_body,
    grid=(N // BN,),
    in_specs=[
        pl.BlockSpec((NC, BN, DV), lambda i: (0, i, 0)),
        pl.BlockSpec((BN, 1), lambda i: (i, 0)),
        pl.BlockSpec((D, D), lambda i: (0, 0)),
        pl.BlockSpec((1, D), lambda i: (0, 0)),
    ],
    out_specs=pl.BlockSpec((BN, D), lambda i: (i, 0)),
    out_shape=jax.ShapeDtypeStruct((N, D), jnp.float32),
)


@jax.jit
def kernel(x, edge_index, train_mask, W, b):
    row = edge_index[0].reshape(NW, NCH, CHUNK)
    col = edge_index[1].reshape(NW, NCH, CHUNK)
    ones_deg = jnp.ones((CHUNK, DEGW), jnp.float32)
    zeros_deg = jnp.zeros((N, DEGW), jnp.float32)
    zeros_v = jnp.zeros((N, DV), jnp.float32)

    degp = _deg_kernel(row, ones_deg, zeros_deg)
    v, dis = _prep(degp, x, train_mask)
    vp = _spmm_kernel(v, col, row, zeros_v)
    out = _final(vp, dis, W, b.reshape(1, D))
    return out

# --- scband reference (transcript-rebuilt; emitter-appended) ---
"""Pipeline reference for scband-pa-gnnconv-8607114461518 (READ-ONLY COPY).

The authoritative reference and input builder live on the scoring server;
editing this copy changes nothing except your own understanding.
"""

import jax, jax.numpy as jnp
import numpy as np

N = 10000
E = 320000
D_IN = 128
D_OUT = 128


def setup_inputs(seed: int = 0) -> dict:
    key = jax.random.key(seed)
    k1, k2, k3, k4 = jax.random.split(key, 4)
    x = jax.random.normal(k1, (N, D_IN), dtype=jnp.float32)
    edge_index = jax.random.randint(k2, (2, E), 0, N, dtype=jnp.int32)
    # train_mask buffer: 0/1 float mask of shape [N, 1] (mask is unused in the
    # taken branch since len(x) == len(train_mask))
    train_mask = (jax.random.uniform(k3, (N, 1)) < 0.5).astype(jnp.float32)
    # Linear layer parameters (torch.nn.Linear(in_features, out_features))
    W = jax.random.normal(k4, (D_OUT, D_IN), dtype=jnp.float32) * 0.05
    b = jnp.zeros((D_OUT,), dtype=jnp.float32)
    return {"x": x, "edge_index": edge_index, "train_mask": train_mask, "W": W, "b": b}


def reference(x, edge_index, train_mask, W, b):
    # x[x.isnan()] = 0
    x = jnp.nan_to_num(x)
    row = edge_index[0]
    col = edge_index[1]
    # get_symmetrically_normalized_adjacency: GCN-style D^{-1/2} A D^{-1/2}
    deg = jax.ops.segment_sum(jnp.ones((E,), dtype=jnp.float32), row, num_segments=N)
    deg_safe = jnp.where(deg > 0, deg, 1.0)
    dis = jnp.where(deg > 0, 1.0 / jnp.sqrt(deg_safe), 0.0)
    w = dis[row] * dis[col]

    def spmm(Y):
        # torch.sparse.mm(newadj, Y): out[i] = sum_{(i,j) in E} w_ij * Y[j]
        return jax.ops.segment_sum(w[:, None] * Y[col], row, num_segments=N)

    numerator = spmm(jnp.ones_like(x)) * spmm(train_mask * x)
    denominator = spmm(train_mask)
    # torch.nan_to_num(numerator / denominator): whenever denominator == 0 the
    # numerator is provably 0 too (same nonnegative edge weights * 0/1 mask),
    # so safe masked division is exactly equivalent.
    den_safe = jnp.where(denominator == 0.0, 1.0, denominator)
    ratio = jnp.where(denominator == 0.0, 0.0, numerator / den_safe)
    out = ratio @ W.T + b
    return out

if __name__ == "__main__":
    import jax
    _d = setup_inputs()
    print(jax.jit(kernel)(*tuple(_d.values())))

</pallas_src>

<mosaic_0001>
#map = affine_map<(d0, d1) -> (0, 0)>
#map1 = affine_map<(d0, d1) -> (0, 0, 0)>
module attributes {stable_mosaic.version = 14 : i64} {
  func.func @_spmm_kernel(%arg0: i32, %arg1: i32, %arg2: memref<10000x144xf32, #tpu.memory_space<hbm>>, %arg3: memref<32x125x80xi32, #tpu.memory_space<hbm>>, %arg4: memref<32x125x80xi32, #tpu.memory_space<hbm>>, %arg5: memref<10000x144xf32, #tpu.memory_space<hbm>>, %arg6: memref<2x10000x144xf32, #tpu.memory_space<hbm>>, %arg7: memref<125x80xi32, #tpu.memory_space<vmem>>, %arg8: memref<125x80xi32, #tpu.memory_space<vmem>>, %arg9: memref<80x144xf32, #tpu.memory_space<vmem>>, %arg10: memref<10000x144xf32, #tpu.memory_space<vmem_shared>>) attributes {dimension_semantics = [#tpu.dimension_semantics<core_parallel>, #tpu.dimension_semantics<subcore_parallel>], iteration_bounds = array<i64: 2, 16>, scalar_prefetch = 0 : i64, scratch_operands = 4 : i64, tpu.core_type = #tpu.core_type<sc_vector_subcore>, window_params = [{transform_indices = #map}, {transform_indices = #map1}, {transform_indices = #map1}, {transform_indices = #map}, {transform_indices = #map1}]} {
    %mul3A = arith.constant 2 : i32
    %mul3A_0 = arith.muli %arg1, %mul3A : i32
    %add3A = arith.addi %mul3A_0, %arg0 : i32
    "tpu.region"() ({
      %run_scoped3A = tpu.sem_alloc : memref<!tpu.dma_semaphore, #tpu.memory_space<semaphore_mem>>
      %dma_start3A = arith.constant 0 : i32
      %dma_start3A_14 = arith.constant 0 : i32
      %dma_start3A_15 = tpu.memref_slice %arg3[%add3A, %dma_start3A, %dma_start3A_14] : memref<32x125x80xi32, #tpu.memory_space<hbm>> -> memref<1x125x80xi32, #tpu.memory_space<hbm>>
      %dma_start3A_16 = tpu.memref_squeeze %dma_start3A_15 : memref<1x125x80xi32, #tpu.memory_space<hbm>> -> memref<125x80xi32, #tpu.memory_space<hbm>>
      %dma_start3A_17 = arith.constant 0 : i32
      %dma_start3A_18 = arith.constant 0 : i32
      %dma_start3A_19 = tpu.memref_slice %arg3[%add3A, %dma_start3A_17, %dma_start3A_18] : memref<32x125x80xi32, #tpu.memory_space<hbm>> -> memref<1x125x80xi32, #tpu.memory_space<hbm>>
      %dma_start3A_20 = tpu.memref_squeeze %dma_start3A_19 : memref<1x125x80xi32, #tpu.memory_space<hbm>> -> memref<125x80xi32, #tpu.memory_space<hbm>>
      tpu.enqueue_dma source(%dma_start3A_20 : memref<125x80xi32, #tpu.memory_space<hbm>>) target(%arg7 : memref<125x80xi32, #tpu.memory_space<vmem>>) target_semaphore(%run_scoped3A : memref<!tpu.dma_semaphore, #tpu.memory_space<semaphore_mem>>)
      %dma_wait3A = arith.constant 0 : i32
      %dma_wait3A_21 = arith.constant 0 : i32
      %dma_wait3A_22 = tpu.memref_slice %arg3[%add3A, %dma_wait3A, %dma_wait3A_21] : memref<32x125x80xi32, #tpu.memory_space<hbm>> -> memref<1x125x80xi32, #tpu.memory_space<hbm>>
      %dma_wait3A_23 = tpu.memref_squeeze %dma_wait3A_22 : memref<1x125x80xi32, #tpu.memory_space<hbm>> -> memref<125x80xi32, #tpu.memory_space<hbm>>
      %dma_wait3A_24 = arith.constant 0 : i32
      %dma_wait3A_25 = arith.constant 0 : i32
      %dma_wait3A_26 = tpu.memref_slice %arg3[%add3A, %dma_wait3A_24, %dma_wait3A_25] : memref<32x125x80xi32, #tpu.memory_space<hbm>> -> memref<1x125x80xi32, #tpu.memory_space<hbm>>
      %dma_wait3A_27 = tpu.memref_squeeze %dma_wait3A_26 : memref<1x125x80xi32, #tpu.memory_space<hbm>> -> memref<125x80xi32, #tpu.memory_space<hbm>>
      tpu.wait_dma2 semaphore(%run_scoped3A : memref<!tpu.dma_semaphore, #tpu.memory_space<semaphore_mem>>) src(%dma_wait3A_27 : memref<125x80xi32, #tpu.memory_space<hbm>>) dst(%arg7 : memref<125x80xi32, #tpu.memory_space<vmem>>)
      tpu.yield
    }) : () -> ()
    "tpu.region"() ({
      %run_scoped3A = tpu.sem_alloc : memref<!tpu.dma_semaphore, #tpu.memory_space<semaphore_mem>>
      %dma_start3A = arith.constant 0 : i32
      %dma_start3A_14 = arith.constant 0 : i32
      %dma_start3A_15 = tpu.memref_slice %arg4[%add3A, %dma_start3A, %dma_start3A_14] : memref<32x125x80xi32, #tpu.memory_space<hbm>> -> memref<1x125x80xi32, #tpu.memory_space<hbm>>
      %dma_start3A_16 = tpu.memref_squeeze %dma_start3A_15 : memref<1x125x80xi32, #tpu.memory_space<hbm>> -> memref<125x80xi32, #tpu.memory_space<hbm>>
      %dma_start3A_17 = arith.constant 0 : i32
      %dma_start3A_18 = arith.constant 0 : i32
      %dma_start3A_19 = tpu.memref_slice %arg4[%add3A, %dma_start3A_17, %dma_start3A_18] : memref<32x125x80xi32, #tpu.memory_space<hbm>> -> memref<1x125x80xi32, #tpu.memory_space<hbm>>
      %dma_start3A_20 = tpu.memref_squeeze %dma_start3A_19 : memref<1x125x80xi32, #tpu.memory_space<hbm>> -> memref<125x80xi32, #tpu.memory_space<hbm>>
      tpu.enqueue_dma source(%dma_start3A_20 : memref<125x80xi32, #tpu.memory_space<hbm>>) target(%arg8 : memref<125x80xi32, #tpu.memory_space<vmem>>) target_semaphore(%run_scoped3A : memref<!tpu.dma_semaphore, #tpu.memory_space<semaphore_mem>>)
      %dma_wait3A = arith.constant 0 : i32
      %dma_wait3A_21 = arith.constant 0 : i32
      %dma_wait3A_22 = tpu.memref_slice %arg4[%add3A, %dma_wait3A, %dma_wait3A_21] : memref<32x125x80xi32, #tpu.memory_space<hbm>> -> memref<1x125x80xi32, #tpu.memory_space<hbm>>
      %dma_wait3A_23 = tpu.memref_squeeze %dma_wait3A_22 : memref<1x125x80xi32, #tpu.memory_space<hbm>> -> memref<125x80xi32, #tpu.memory_space<hbm>>
      %dma_wait3A_24 = arith.constant 0 : i32
      %dma_wait3A_25 = arith.constant 0 : i32
      %dma_wait3A_26 = tpu.memref_slice %arg4[%add3A, %dma_wait3A_24, %dma_wait3A_25] : memref<32x125x80xi32, #tpu.memory_space<hbm>> -> memref<1x125x80xi32, #tpu.memory_space<hbm>>
      %dma_wait3A_27 = tpu.memref_squeeze %dma_wait3A_26 : memref<1x125x80xi32, #tpu.memory_space<hbm>> -> memref<125x80xi32, #tpu.memory_space<hbm>>
      tpu.wait_dma2 semaphore(%run_scoped3A : memref<!tpu.dma_semaphore, #tpu.memory_space<semaphore_mem>>) src(%dma_wait3A_27 : memref<125x80xi32, #tpu.memory_space<hbm>>) dst(%arg8 : memref<125x80xi32, #tpu.memory_space<vmem>>)
      tpu.yield
    }) : () -> ()
    %eq3A = arith.constant 0 : i32
    %eq3A_1 = arith.cmpi eq, %arg1, %eq3A : i32
    %convert_element_type3A = arith.extui %eq3A_1 : i1 to i32
    %cond3A = arith.constant 0 : i32
    %cond3A_2 = arith.cmpi ne, %convert_element_type3A, %cond3A : i32
    scf.if %cond3A_2 {
      "tpu.region"() ({
        %run_scoped3A = tpu.sem_alloc : memref<!tpu.dma_semaphore, #tpu.memory_space<semaphore_mem>>
        tpu.enqueue_dma source(%arg5 : memref<10000x144xf32, #tpu.memory_space<hbm>>) target(%arg10 : memref<10000x144xf32, #tpu.memory_space<vmem_shared>>) target_semaphore(%run_scoped3A : memref<!tpu.dma_semaphore, #tpu.memory_space<semaphore_mem>>)
        tpu.wait_dma2 semaphore(%run_scoped3A : memref<!tpu.dma_semaphore, #tpu.memory_space<semaphore_mem>>) src(%arg5 : memref<10000x144xf32, #tpu.memory_space<hbm>>) dst(%arg10 : memref<10000x144xf32, #tpu.memory_space<vmem_shared>>)
        tpu.yield
      }) : () -> ()
    } else {
    }
    %barrier3A = arith.constant 0 : index
    tpu.barrier barrier_id(%barrier3A)
    %scan3A = arith.constant 0 : i32
    %scan3A_3 = arith.constant 0 : i32
    %scan3A_4 = arith.constant 125 : i32
    %scan3A_5 = arith.addi %scan3A_3, %scan3A_4 : i32
    %scan3A_6 = arith.constant 1 : i32
    scf.for %scan3A_14 = %scan3A_3 to %scan3A_5 step %scan3A_6  : i32 {
      "tpu.region"() ({
        %run_scoped3A = tpu.sem_alloc : memref<!tpu.dma_semaphore, #tpu.memory_space<semaphore_mem>>
        %dma_start3A = arith.constant 0 : i32
        %dma_start3A_15 = tpu.memref_slice %arg7[%scan3A_14, %dma_start3A] : memref<125x80xi32, #tpu.memory_space<vmem>> -> memref<1x80xi32, #tpu.memory_space<vmem>>
        %dma_start3A_16 = tpu.memref_squeeze %dma_start3A_15 : memref<1x80xi32, #tpu.memory_space<vmem>> -> memref<80xi32, #tpu.memory_space<vmem>>
        %dma_start3A_17 = arith.constant 0 : i32
        %dma_start3A_18 = arith.constant 0 : i32
        %dma_start3A_19 = tpu.memref_slice %arg2[%dma_start3A_17, %dma_start3A_18] : memref<10000x144xf32, #tpu.memory_space<hbm>> -> memref<10000x144xf32, #tpu.memory_space<hbm>>
        tpu.enqueue_indirect_dma source(%dma_start3A_19 : memref<10000x144xf32, #tpu.memory_space<hbm>>) target(%arg9 : memref<80x144xf32, #tpu.memory_space<vmem>>) offsets(%dma_start3A_16 : memref<80xi32, #tpu.memory_space<vmem>>) semaphore(%run_scoped3A : memref<!tpu.dma_semaphore, #tpu.memory_space<semaphore_mem>>)
        %dma_wait3A = arith.constant 0 : i32
        %dma_wait3A_20 = tpu.memref_slice %arg7[%scan3A_14, %dma_wait3A] : memref<125x80xi32, #tpu.memory_space<vmem>> -> memref<1x80xi32, #tpu.memory_space<vmem>>
        %dma_wait3A_21 = tpu.memref_squeeze %dma_wait3A_20 : memref<1x80xi32, #tpu.memory_space<vmem>> -> memref<80xi32, #tpu.memory_space<vmem>>
        %dma_wait3A_22 = arith.constant 0 : i32
        %dma_wait3A_23 = arith.constant 0 : i32
        %dma_wait3A_24 = tpu.memref_slice %arg2[%dma_wait3A_22, %dma_wait3A_23] : memref<10000x144xf32, #tpu.memory_space<hbm>> -> memref<10000x144xf32, #tpu.memory_space<hbm>>
        tpu.wait_indirect_dma semaphore(%run_scoped3A : memref<!tpu.dma_semaphore, #tpu.memory_space<semaphore_mem>>) src(%dma_wait3A_24 : memref<10000x144xf32, #tpu.memory_space<hbm>>) dst(%arg9 : memref<80x144xf32, #tpu.memory_space<vmem>>)
        tpu.yield
      }) : () -> ()
      "tpu.region"() ({
        %run_scoped3A = tpu.sem_alloc : memref<!tpu.dma_semaphore, #tpu.memory_space<semaphore_mem>>
        %dma_start3A = arith.constant 0 : i32
        %dma_start3A_15 = tpu.memref_slice %arg8[%scan3A_14, %dma_start3A] : memref<125x80xi32, #tpu.memory_space<vmem>> -> memref<1x80xi32, #tpu.memory_space<vmem>>
        %dma_start3A_16 = tpu.memref_squeeze %dma_start3A_15 : memref<1x80xi32, #tpu.memory_space<vmem>> -> memref<80xi32, #tpu.memory_space<vmem>>
        %dma_start3A_17 = arith.constant 0 : i32
        %dma_start3A_18 = arith.constant 0 : i32
        %dma_start3A_19 = tpu.memref_slice %arg10[%dma_start3A_17, %dma_start3A_18] : memref<10000x144xf32, #tpu.memory_space<vmem_shared>> -> memref<10000x144xf32, #tpu.memory_space<vmem_shared>>
        tpu.enqueue_indirect_dma source(%arg9 : memref<80x144xf32, #tpu.memory_space<vmem>>) target(%dma_start3A_19 : memref<10000x144xf32, #tpu.memory_space<vmem_shared>>) offsets(%dma_start3A_16 : memref<80xi32, #tpu.memory_space<vmem>>) semaphore(%run_scoped3A : memref<!tpu.dma_semaphore, #tpu.memory_space<semaphore_mem>>) {add = true}
        %dma_wait3A = arith.constant 0 : i32
        %dma_wait3A_20 = tpu.memref_slice %arg8[%scan3A_14, %dma_wait3A] : memref<125x80xi32, #tpu.memory_space<vmem>> -> memref<1x80xi32, #tpu.memory_space<vmem>>
        %dma_wait3A_21 = tpu.memref_squeeze %dma_wait3A_20 : memref<1x80xi32, #tpu.memory_space<vmem>> -> memref<80xi32, #tpu.memory_space<vmem>>
        %dma_wait3A_22 = arith.constant 0 : i32
        %dma_wait3A_23 = arith.constant 0 : i32
        %dma_wait3A_24 = tpu.memref_slice %arg10[%dma_wait3A_22, %dma_wait3A_23] : memref<10000x144xf32, #tpu.memory_space<vmem_shared>> -> memref<10000x144xf32, #tpu.memory_space<vmem_shared>>
        tpu.wait_indirect_dma semaphore(%run_scoped3A : memref<!tpu.dma_semaphore, #tpu.memory_space<semaphore_mem>>) src(%arg9 : memref<80x144xf32, #tpu.memory_space<vmem>>) dst(%dma_wait3A_24 : memref<10000x144xf32, #tpu.memory_space<vmem_shared>>)
        tpu.yield
      }) : () -> ()
    }
    %scan3A_7 = arith.constant 125 : i32
    %barrier3A_8 = arith.constant 0 : index
    tpu.barrier barrier_id(%barrier3A_8)
    %eq3A_9 = arith.constant 0 : i32
    %eq3A_10 = arith.cmpi eq, %arg1, %eq3A_9 : i32
    %convert_element_type3A_11 = arith.extui %eq3A_10 : i1 to i32
    %cond3A_12 = arith.constant 0 : i32
    %cond3A_13 = arith.cmpi ne, %convert_element_type3A_11, %cond3A_12 : i32
    scf.if %cond3A_13 {
      "tpu.region"() ({
        %run_scoped3A = tpu.sem_alloc : memref<!tpu.dma_semaphore, #tpu.memory_space<semaphore_mem>>
        %dma_start3A = arith.constant 0 : i32
        %dma_start3A_14 = arith.constant 0 : i32
        %dma_start3A_15 = tpu.memref_slice %arg6[%arg0, %dma_start3A, %dma_start3A_14] : memref<2x10000x144xf32, #tpu.memory_space<hbm>> -> memref<1x10000x144xf32, #tpu.memory_space<hbm>>
        %dma_start3A_16 = tpu.memref_squeeze %dma_start3A_15 : memref<1x10000x144xf32, #tpu.memory_space<hbm>> -> memref<10000x144xf32, #tpu.memory_space<hbm>>
        tpu.enqueue_dma source(%arg10 : memref<10000x144xf32, #tpu.memory_space<vmem_shared>>) target(%dma_start3A_16 : memref<10000x144xf32, #tpu.memory_space<hbm>>) target_semaphore(%run_scoped3A : memref<!tpu.dma_semaphore, #tpu.memory_space<semaphore_mem>>)
        %dma_wait3A = arith.constant 0 : i32
        %dma_wait3A_17 = arith.constant 0 : i32
        %dma_wait3A_18 = tpu.memref_slice %arg6[%arg0, %dma_wait3A, %dma_wait3A_17] : memref<2x10000x144xf32, #tpu.memory_space<hbm>> -> memref<1x10000x144xf32, #tpu.memory_space<hbm>>
        %dma_wait3A_19 = tpu.memref_squeeze %dma_wait3A_18 : memref<1x10000x144xf32, #tpu.memory_space<hbm>> -> memref<10000x144xf32, #tpu.memory_space<hbm>>
        tpu.wait_dma2 semaphore(%run_scoped3A : memref<!tpu.dma_semaphore, #tpu.memory_space<semaphore_mem>>) src(%arg10 : memref<10000x144xf32, #tpu.memory_space<vmem_shared>>) dst(%dma_wait3A_19 : memref<10000x144xf32, #tpu.memory_space<hbm>>)
        tpu.yield
      }) : () -> ()
    } else {
    }
    return
  }
}

#map = affine_map<(d0, d1) -> (0, 0, 0)>
#map1 = affine_map<(d0, d1) -> (0, 0)>
module attributes {stable_mosaic.version = 14 : i64} {
  func.func @_deg_kernel(%arg0: i32, %arg1: i32, %arg2: memref<32x125x80xi32, #tpu.memory_space<hbm>>, %arg3: memref<80x16xf32, #tpu.memory_space<hbm>>, %arg4: memref<10000x16xf32, #tpu.memory_space<hbm>>, %arg5: memref<2x10000x16xf32, #tpu.memory_space<hbm>>, %arg6: memref<125x80xi32, #tpu.memory_space<vmem>>, %arg7: memref<80x16xf32, #tpu.memory_space<vmem>>, %arg8: memref<10000x16xf32, #tpu.memory_space<vmem_shared>>) attributes {dimension_semantics = [#tpu.dimension_semantics<core_parallel>, #tpu.dimension_semantics<subcore_parallel>], iteration_bounds = array<i64: 2, 16>, scalar_prefetch = 0 : i64, scratch_operands = 3 : i64, tpu.core_type = #tpu.core_type<sc_vector_subcore>, window_params = [{transform_indices = #map}, {transform_indices = #map1}, {transform_indices = #map1}, {transform_indices = #map}]} {
    %mul3A = arith.constant 2 : i32
    %mul3A_0 = arith.muli %arg1, %mul3A : i32
    %add3A = arith.addi %mul3A_0, %arg0 : i32
    "tpu.region"() ({
      %run_scoped3A = tpu.sem_alloc : memref<!tpu.dma_semaphore, #tpu.memory_space<semaphore_mem>>
      %dma_start3A = arith.constant 0 : i32
      %dma_start3A_14 = arith.constant 0 : i32
      %dma_start3A_15 = tpu.memref_slice %arg2[%add3A, %dma_start3A, %dma_start3A_14] : memref<32x125x80xi32, #tpu.memory_space<hbm>> -> memref<1x125x80xi32, #tpu.memory_space<hbm>>
      %dma_start3A_16 = tpu.memref_squeeze %dma_start3A_15 : memref<1x125x80xi32, #tpu.memory_space<hbm>> -> memref<125x80xi32, #tpu.memory_space<hbm>>
      %dma_start3A_17 = arith.constant 0 : i32
      %dma_start3A_18 = arith.constant 0 : i32
      %dma_start3A_19 = tpu.memref_slice %arg2[%add3A, %dma_start3A_17, %dma_start3A_18] : memref<32x125x80xi32, #tpu.memory_space<hbm>> -> memref<1x125x80xi32, #tpu.memory_space<hbm>>
      %dma_start3A_20 = tpu.memref_squeeze %dma_start3A_19 : memref<1x125x80xi32, #tpu.memory_space<hbm>> -> memref<125x80xi32, #tpu.memory_space<hbm>>
      tpu.enqueue_dma source(%dma_start3A_20 : memref<125x80xi32, #tpu.memory_space<hbm>>) target(%arg6 : memref<125x80xi32, #tpu.memory_space<vmem>>) target_semaphore(%run_scoped3A : memref<!tpu.dma_semaphore, #tpu.memory_space<semaphore_mem>>)
      %dma_wait3A = arith.constant 0 : i32
      %dma_wait3A_21 = arith.constant 0 : i32
      %dma_wait3A_22 = tpu.memref_slice %arg2[%add3A, %dma_wait3A, %dma_wait3A_21] : memref<32x125x80xi32, #tpu.memory_space<hbm>> -> memref<1x125x80xi32, #tpu.memory_space<hbm>>
      %dma_wait3A_23 = tpu.memref_squeeze %dma_wait3A_22 : memref<1x125x80xi32, #tpu.memory_space<hbm>> -> memref<125x80xi32, #tpu.memory_space<hbm>>
      %dma_wait3A_24 = arith.constant 0 : i32
      %dma_wait3A_25 = arith.constant 0 : i32
      %dma_wait3A_26 = tpu.memref_slice %arg2[%add3A, %dma_wait3A_24, %dma_wait3A_25] : memref<32x125x80xi32, #tpu.memory_space<hbm>> -> memref<1x125x80xi32, #tpu.memory_space<hbm>>
      %dma_wait3A_27 = tpu.memref_squeeze %dma_wait3A_26 : memref<1x125x80xi32, #tpu.memory_space<hbm>> -> memref<125x80xi32, #tpu.memory_space<hbm>>
      tpu.wait_dma2 semaphore(%run_scoped3A : memref<!tpu.dma_semaphore, #tpu.memory_space<semaphore_mem>>) src(%dma_wait3A_27 : memref<125x80xi32, #tpu.memory_space<hbm>>) dst(%arg6 : memref<125x80xi32, #tpu.memory_space<vmem>>)
      tpu.yield
    }) : () -> ()
    "tpu.region"() ({
      %run_scoped3A = tpu.sem_alloc : memref<!tpu.dma_semaphore, #tpu.memory_space<semaphore_mem>>
      tpu.enqueue_dma source(%arg3 : memref<80x16xf32, #tpu.memory_space<hbm>>) target(%arg7 : memref<80x16xf32, #tpu.memory_space<vmem>>) target_semaphore(%run_scoped3A : memref<!tpu.dma_semaphore, #tpu.memory_space<semaphore_mem>>)
      tpu.wait_dma2 semaphore(%run_scoped3A : memref<!tpu.dma_semaphore, #tpu.memory_space<semaphore_mem>>) src(%arg3 : memref<80x16xf32, #tpu.memory_space<hbm>>) dst(%arg7 : memref<80x16xf32, #tpu.memory_space<vmem>>)
      tpu.yield
    }) : () -> ()
    %eq3A = arith.constant 0 : i32
    %eq3A_1 = arith.cmpi eq, %arg1, %eq3A : i32
    %convert_element_type3A = arith.extui %eq3A_1 : i1 to i32
    %cond3A = arith.constant 0 : i32
    %cond3A_2 = arith.cmpi ne, %convert_element_type3A, %cond3A : i32
    scf.if %cond3A_2 {
      "tpu.region"() ({
        %run_scoped3A = tpu.sem_alloc : memref<!tpu.dma_semaphore, #tpu.memory_space<semaphore_mem>>
        tpu.enqueue_dma source(%arg4 : memref<10000x16xf32, #tpu.memory_space<hbm>>) target(%arg8 : memref<10000x16xf32, #tpu.memory_space<vmem_shared>>) target_semaphore(%run_scoped3A : memref<!tpu.dma_semaphore, #tpu.memory_space<semaphore_mem>>)
        tpu.wait_dma2 semaphore(%run_scoped3A : memref<!tpu.dma_semaphore, #tpu.memory_space<semaphore_mem>>) src(%arg4 : memref<10000x16xf32, #tpu.memory_space<hbm>>) dst(%arg8 : memref<10000x16xf32, #tpu.memory_space<vmem_shared>>)
        tpu.yield
      }) : () -> ()
    } else {
    }
    %barrier3A = arith.constant 0 : index
    tpu.barrier barrier_id(%barrier3A)
    %scan3A = arith.constant 0 : i32
    %scan3A_3 = arith.constant 0 : i32
    %scan3A_4 = arith.constant 125 : i32
    %scan3A_5 = arith.addi %scan3A_3, %scan3A_4 : i32
    %scan3A_6 = arith.constant 1 : i32
    scf.for %scan3A_14 = %scan3A_3 to %scan3A_5 step %scan3A_6  : i32 {
      "tpu.region"() ({
        %run_scoped3A = tpu.sem_alloc : memref<!tpu.dma_semaphore, #tpu.memory_space<semaphore_mem>>
        %dma_start3A = arith.constant 0 : i32
        %dma_start3A_15 = tpu.memref_slice %arg6[%scan3A_14, %dma_start3A] : memref<125x80xi32, #tpu.memory_space<vmem>> -> memref<1x80xi32, #tpu.memory_space<vmem>>
        %dma_start3A_16 = tpu.memref_squeeze %dma_start3A_15 : memref<1x80xi32, #tpu.memory_space<vmem>> -> memref<80xi32, #tpu.memory_space<vmem>>
        %dma_start3A_17 = arith.constant 0 : i32
        %dma_start3A_18 = arith.constant 0 : i32
        %dma_start3A_19 = tpu.memref_slice %arg8[%dma_start3A_17, %dma_start3A_18] : memref<10000x16xf32, #tpu.memory_space<vmem_shared>> -> memref<10000x16xf32, #tpu.memory_space<vmem_shared>>
        tpu.enqueue_indirect_dma source(%arg7 : memref<80x16xf32, #tpu.memory_space<vmem>>) target(%dma_start3A_19 : memref<10000x16xf32, #tpu.memory_space<vmem_shared>>) offsets(%dma_start3A_16 : memref<80xi32, #tpu.memory_space<vmem>>) semaphore(%run_scoped3A : memref<!tpu.dma_semaphore, #tpu.memory_space<semaphore_mem>>) {add = true}
        %dma_wait3A = arith.constant 0 : i32
        %dma_wait3A_20 = tpu.memref_slice %arg6[%scan3A_14, %dma_wait3A] : memref<125x80xi32, #tpu.memory_space<vmem>> -> memref<1x80xi32, #tpu.memory_space<vmem>>
        %dma_wait3A_21 = tpu.memref_squeeze %dma_wait3A_20 : memref<1x80xi32, #tpu.memory_space<vmem>> -> memref<80xi32, #tpu.memory_space<vmem>>
        %dma_wait3A_22 = arith.constant 0 : i32
        %dma_wait3A_23 = arith.constant 0 : i32
        %dma_wait3A_24 = tpu.memref_slice %arg8[%dma_wait3A_22, %dma_wait3A_23] : memref<10000x16xf32, #tpu.memory_space<vmem_shared>> -> memref<10000x16xf32, #tpu.memory_space<vmem_shared>>
        tpu.wait_indirect_dma semaphore(%run_scoped3A : memref<!tpu.dma_semaphore, #tpu.memory_space<semaphore_mem>>) src(%arg7 : memref<80x16xf32, #tpu.memory_space<vmem>>) dst(%dma_wait3A_24 : memref<10000x16xf32, #tpu.memory_space<vmem_shared>>)
        tpu.yield
      }) : () -> ()
    }
    %scan3A_7 = arith.constant 125 : i32
    %barrier3A_8 = arith.constant 0 : index
    tpu.barrier barrier_id(%barrier3A_8)
    %eq3A_9 = arith.constant 0 : i32
    %eq3A_10 = arith.cmpi eq, %arg1, %eq3A_9 : i32
    %convert_element_type3A_11 = arith.extui %eq3A_10 : i1 to i32
    %cond3A_12 = arith.constant 0 : i32
    %cond3A_13 = arith.cmpi ne, %convert_element_type3A_11, %cond3A_12 : i32
    scf.if %cond3A_13 {
      "tpu.region"() ({
        %run_scoped3A = tpu.sem_alloc : memref<!tpu.dma_semaphore, #tpu.memory_space<semaphore_mem>>
        %dma_start3A = arith.constant 0 : i32
        %dma_start3A_14 = arith.constant 0 : i32
        %dma_start3A_15 = tpu.memref_slice %arg5[%arg0, %dma_start3A, %dma_start3A_14] : memref<2x10000x16xf32, #tpu.memory_space<hbm>> -> memref<1x10000x16xf32, #tpu.memory_space<hbm>>
        %dma_start3A_16 = tpu.memref_squeeze %dma_start3A_15 : memref<1x10000x16xf32, #tpu.memory_space<hbm>> -> memref<10000x16xf32, #tpu.memory_space<hbm>>
        tpu.enqueue_dma source(%arg8 : memref<10000x16xf32, #tpu.memory_space<vmem_shared>>) target(%dma_start3A_16 : memref<10000x16xf32, #tpu.memory_space<hbm>>) target_semaphore(%run_scoped3A : memref<!tpu.dma_semaphore, #tpu.memory_space<semaphore_mem>>)
        %dma_wait3A = arith.constant 0 : i32
        %dma_wait3A_17 = arith.constant 0 : i32
        %dma_wait3A_18 = tpu.memref_slice %arg5[%arg0, %dma_wait3A, %dma_wait3A_17] : memref<2x10000x16xf32, #tpu.memory_space<hbm>> -> memref<1x10000x16xf32, #tpu.memory_space<hbm>>
        %dma_wait3A_19 = tpu.memref_squeeze %dma_wait3A_18 : memref<1x10000x16xf32, #tpu.memory_space<hbm>> -> memref<10000x16xf32, #tpu.memory_space<hbm>>
        tpu.wait_dma2 semaphore(%run_scoped3A : memref<!tpu.dma_semaphore, #tpu.memory_space<semaphore_mem>>) src(%arg8 : memref<10000x16xf32, #tpu.memory_space<vmem_shared>>) dst(%dma_wait3A_19 : memref<10000x16xf32, #tpu.memory_space<hbm>>)
        tpu.yield
      }) : () -> ()
    } else {
    }
    return
  }
}

module attributes {stable_mosaic.version = 14 : i64} {
  func.func @_prep_body(%arg0: i32, %arg1: memref<2x400x16xf32, #tpu.memory_space<vmem>>, %arg2: memref<400x128xf32, #tpu.memory_space<vmem>>, %arg3: memref<400x1xf32, #tpu.memory_space<vmem>>, %arg4: memref<400x144xf32, #tpu.memory_space<vmem>>, %arg5: memref<400x1xf32, #tpu.memory_space<vmem>>) attributes {dimension_semantics = [#tpu.dimension_semantics<arbitrary>], iteration_bounds = array<i64: 25>, scalar_prefetch = 0 : i64, scratch_operands = 0 : i64, tpu.core_type = #tpu.core_type<tc>, window_params = [{transform_indices = @transform_0, window_bounds = array<i64: 2, 400, 16>}, {transform_indices = @transform_1, window_bounds = array<i64: 400, 128>}, {transform_indices = @transform_2, window_bounds = array<i64: 400, 1>}, {transform_indices = @transform_3, window_bounds = array<i64: 400, 144>}, {transform_indices = @transform_4, window_bounds = array<i64: 400, 1>}]} {
    %get3A = arith.constant 0 : index
    %get3A_0 = arith.constant 0 : index
    %get3A_1 = arith.constant 0 : index
    %get3A_2 = vector.load %arg1[%get3A, %get3A_0, %get3A_1] : memref<2x400x16xf32, #tpu.memory_space<vmem>>, vector<1x400x1xf32>
    %get3A_3 = vector.shape_cast %get3A_2 : vector<1x400x1xf32> to vector<400x1xf32>
    %get3A_4 = arith.constant 1 : index
    %get3A_5 = arith.constant 0 : index
    %get3A_6 = arith.constant 0 : index
    %get3A_7 = vector.load %arg1[%get3A_4, %get3A_5, %get3A_6] : memref<2x400x16xf32, #tpu.memory_space<vmem>>, vector<1x400x1xf32>
    %get3A_8 = vector.shape_cast %get3A_7 : vector<1x400x1xf32> to vector<400x1xf32>
    %add3A = arith.addf %get3A_3, %get3A_8 : vector<400x1xf32>
    %gt3A = arith.constant 0.000000e+00 : f32
    %gt3A_9 = vector.broadcast %gt3A : f32 to vector<400x1xf32>
    %gt3A_10 = arith.cmpf ogt, %add3A, %gt3A_9 : vector<400x1xf32>
    %max3A = arith.constant 1.000000e+00 : f32
    %max3A_11 = vector.broadcast %max3A : f32 to vector<400x1xf32>
    %max3A_12 = arith.maximumf %add3A, %max3A_11 : vector<400x1xf32>
    %rsqrt3A = math.rsqrt %max3A_12 : vector<400x1xf32>
    %jit3A = arith.constant 0.000000e+00 : f32
    %broadcast_in_dim3A = vector.broadcast %jit3A : f32 to vector<400x1xf32>
    %select_n3A = arith.select %gt3A_10, %rsqrt3A, %broadcast_in_dim3A : vector<400x1xi1>, vector<400x1xf32>
    %get3A_13 = arith.constant 0 : index
    %get3A_14 = arith.constant 0 : index
    %get3A_15 = vector.load %arg3[%get3A_13, %get3A_14] : memref<400x1xf32, #tpu.memory_space<vmem>>, vector<400x1xf32>
    %mul3A = arith.mulf %select_n3A, %get3A_15 : vector<400x1xf32>
    %get3A_16 = arith.constant 0 : index
    %get3A_17 = arith.constant 0 : index
    %get3A_18 = vector.load %arg2[%get3A_16, %get3A_17] : memref<400x128xf32, #tpu.memory_space<vmem>>, vector<400x128xf32>
    %ne3A = arith.cmpf one, %get3A_18, %get3A_18 : vector<400x128xf32>
    %jit3A_19 = arith.constant 0.000000e+00 : f32
    %broadcast_in_dim3A_20 = vector.broadcast %jit3A_19 : f32 to vector<400x128xf32>
    %select_n3A_21 = arith.select %ne3A, %broadcast_in_dim3A_20, %get3A_18 : vector<400x128xi1>, vector<400x128xf32>
    %mul3A_22 = vector.broadcast %mul3A : vector<400x1xf32> to vector<400x128xf32>
    %mul3A_23 = arith.mulf %mul3A_22, %select_n3A_21 : vector<400x128xf32>
    %swap3A = arith.constant 0 : index
    %swap3A_24 = arith.constant 0 : index
    %swap3A_25 = vector.load %arg4[%swap3A, %swap3A_24] : memref<400x144xf32, #tpu.memory_space<vmem>>, vector<400x128xf32>
    tpu.vector_store %arg4[%swap3A, %swap3A_24], %mul3A_23 {strides = array<i32>} : memref<400x144xf32, #tpu.memory_space<vmem>>, vector<400x128xf32>,
    %iota3A = tpu.iota {dimensions = array<i32: 1>} : vector<400x16xi32>
    %eq3A = arith.constant 0 : i32
    %eq3A_26 = vector.broadcast %eq3A : i32 to vector<400x16xi32>
    %eq3A_27 = arith.cmpi eq, %iota3A, %eq3A_26 : vector<400x16xi32>
    %eq3A_28 = arith.constant 1 : i32
    %eq3A_29 = vector.broadcast %eq3A_28 : i32 to vector<400x16xi32>
    %eq3A_30 = arith.cmpi eq, %iota3A, %eq3A_29 : vector<400x16xi32>
    %jit3A_31 = arith.constant 0.000000e+00 : f32
    %broadcast_in_dim3A_32 = vector.shape_cast %select_n3A : vector<400x1xf32> to vector<400x1xf32>
    %broadcast_in_dim3A_33 = vector.broadcast %broadcast_in_dim3A_32 : vector<400x1xf32> to vector<400x16xf32>
    %broadcast_in_dim3A_34 = vector.broadcast %jit3A_31 : f32 to vector<400x16xf32>
    %select_n3A_35 = arith.select %eq3A_30, %broadcast_in_dim3A_33, %broadcast_in_dim3A_34 : vector<400x16xi1>, vector<400x16xf32>
    %broadcast_in_dim3A_36 = vector.shape_cast %mul3A : vector<400x1xf32> to vector<400x1xf32>
    %broadcast_in_dim3A_37 = vector.broadcast %broadcast_in_dim3A_36 : vector<400x1xf32> to vector<400x16xf32>
    %select_n3A_38 = arith.select %eq3A_27, %broadcast_in_dim3A_37, %select_n3A_35 : vector<400x16xi1>, vector<400x16xf32>
    %swap3A_39 = arith.constant 0 : index
    %swap3A_40 = arith.constant 128 : index
    %swap3A_41 = vector.load %arg4[%swap3A_39, %swap3A_40] : memref<400x144xf32, #tpu.memory_space<vmem>>, vector<400x16xf32>
    tpu.vector_store %arg4[%swap3A_39, %swap3A_40], %select_n3A_38 {strides = array<i32>} : memref<400x144xf32, #tpu.memory_space<vmem>>, vector<400x16xf32>,
    %swap3A_42 = arith.constant 0 : index
    %swap3A_43 = arith.constant 0 : index
    %swap3A_44 = vector.load %arg5[%swap3A_42, %swap3A_43] : memref<400x1xf32, #tpu.memory_space<vmem>>, vector<400x1xf32>
    tpu.vector_store %arg5[%swap3A_42, %swap3A_43], %select_n3A {strides = array<i32>} : memref<400x1xf32, #tpu.memory_space<vmem>>, vector<400x1xf32>,
    return
  }
  func.func @transform_0(%arg0: i32) -> (i32, i32, i32) {
    %c0_i32 = arith.constant 0 : i32
    %c0_i32_0 = arith.constant 0 : i32
    %c0_i32_1 = arith.constant 0 : i32
    return %c0_i32, %arg0, %c0_i32_0 : i32, i32, i32
  }
  func.func @transform_1(%arg0: i32) -> (i32, i32) {
    %c0_i32 = arith.constant 0 : i32
    %c0_i32_0 = arith.constant 0 : i32
    return %arg0, %c0_i32 : i32, i32
  }
  func.func @transform_2(%arg0: i32) -> (i32, i32) {
    %c0_i32 = arith.constant 0 : i32
    %c0_i32_0 = arith.constant 0 : i32
    return %arg0, %c0_i32 : i32, i32
  }
  func.func @transform_3(%arg0: i32) -> (i32, i32) {
    %c0_i32 = arith.constant 0 : i32
    %c0_i32_0 = arith.constant 0 : i32
    return %arg0, %c0_i32 : i32, i32
  }
  func.func @transform_4(%arg0: i32) -> (i32, i32) {
    %c0_i32 = arith.constant 0 : i32
    %c0_i32_0 = arith.constant 0 : i32
    return %arg0, %c0_i32 : i32, i32
  }
}

module attributes {stable_mosaic.version = 14 : i64} {
  func.func @_final_body(%arg0: i32, %arg1: memref<2x400x144xf32, #tpu.memory_space<vmem>>, %arg2: memref<400x1xf32, #tpu.memory_space<vmem>>, %arg3: memref<128x128xf32, #tpu.memory_space<vmem>>, %arg4: memref<1x128xf32, #tpu.memory_space<vmem>>, %arg5: memref<400x128xf32, #tpu.memory_space<vmem>>) attributes {dimension_semantics = [#tpu.dimension_semantics<arbitrary>], iteration_bounds = array<i64: 25>, scalar_prefetch = 0 : i64, scratch_operands = 0 : i64, tpu.core_type = #tpu.core_type<tc>, window_params = [{transform_indices = @transform_0, window_bounds = array<i64: 2, 400, 144>}, {transform_indices = @transform_1, window_bounds = array<i64: 400, 1>}, {pipeline_mode = #tpu.pipeline_mode<synchronous>, transform_indices = @transform_2, window_bounds = array<i64: 128, 128>}, {pipeline_mode = #tpu.pipeline_mode<synchronous>, transform_indices = @transform_3, window_bounds = array<i64: 1, 128>}, {transform_indices = @transform_4, window_bounds = array<i64: 400, 128>}]} {
    %get3A = arith.constant 0 : index
    %get3A_0 = arith.constant 0 : index
    %get3A_1 = arith.constant 0 : index
    %get3A_2 = vector.load %arg1[%get3A, %get3A_0, %get3A_1] : memref<2x400x144xf32, #tpu.memory_space<vmem>>, vector<1x400x144xf32>
    %get3A_3 = vector.shape_cast %get3A_2 : vector<1x400x144xf32> to vector<400x144xf32>
    %get3A_4 = arith.constant 1 : index
    %get3A_5 = arith.constant 0 : index
    %get3A_6 = arith.constant 0 : index
    %get3A_7 = vector.load %arg1[%get3A_4, %get3A_5, %get3A_6] : memref<2x400x144xf32, #tpu.memory_space<vmem>>, vector<1x400x144xf32>
    %get3A_8 = vector.shape_cast %get3A_7 : vector<1x400x144xf32> to vector<400x144xf32>
    %add3A = arith.addf %get3A_3, %get3A_8 : vector<400x144xf32>
    %slice3A = vector.extract_strided_slice %add3A {offsets = [0, 0], sizes = [400, 128], strides = [1, 1]} : vector<400x144xf32> to vector<400x128xf32>
    %slice3A_9 = vector.extract_strided_slice %add3A {offsets = [0, 128], sizes = [400, 16], strides = [1, 1]} : vector<400x144xf32> to vector<400x16xf32>
    %iota3A = tpu.iota {dimensions = array<i32: 1>} : vector<400x16xi32>
    %eq3A = arith.constant 0 : i32
    %eq3A_10 = vector.broadcast %eq3A : i32 to vector<400x16xi32>
    %eq3A_11 = arith.cmpi eq, %iota3A, %eq3A_10 : vector<400x16xi32>
    %jit3A = arith.constant 0.000000e+00 : f32
    %broadcast_in_dim3A = vector.broadcast %jit3A : f32 to vector<400x16xf32>
    %select_n3A = arith.select %eq3A_11, %slice3A_9, %broadcast_in_dim3A : vector<400x16xi1>, vector<400x16xf32>
    %reduce_sum3A = arith.constant dense<0.000000e+00> : vector<400xf32>
    %reduce_sum3A_12 = vector.multi_reduction <add>, %select_n3A, %reduce_sum3A [1] : vector<400x16xf32> to vector<400xf32>
    %broadcast_in_dim3A_13 = vector.shape_cast %reduce_sum3A_12 : vector<400xf32> to vector<400x1xf32>
    %eq3A_14 = arith.constant 1 : i32
    %eq3A_15 = vector.broadcast %eq3A_14 : i32 to vector<400x16xi32>
    %eq3A_16 = arith.cmpi eq, %iota3A, %eq3A_15 : vector<400x16xi32>
    %jit3A_17 = arith.constant 0.000000e+00 : f32
    %broadcast_in_dim3A_18 = vector.broadcast %jit3A_17 : f32 to vector<400x16xf32>
    %select_n3A_19 = arith.select %eq3A_16, %slice3A_9, %broadcast_in_dim3A_18 : vector<400x16xi1>, vector<400x16xf32>
    %reduce_sum3A_20 = arith.constant dense<0.000000e+00> : vector<400xf32>
    %reduce_sum3A_21 = vector.multi_reduction <add>, %select_n3A_19, %reduce_sum3A_20 [1] : vector<400x16xf32> to vector<400xf32>
    %broadcast_in_dim3A_22 = vector.shape_cast %reduce_sum3A_21 : vector<400xf32> to vector<400x1xf32>
    %get3A_23 = arith.constant 0 : index
    %get3A_24 = arith.constant 0 : index
    %get3A_25 = vector.load %arg2[%get3A_23, %get3A_24] : memref<400x1xf32, #tpu.memory_space<vmem>>, vector<400x1xf32>
    %eq3A_26 = arith.constant 0.000000e+00 : f32
    %eq3A_27 = vector.broadcast %eq3A_26 : f32 to vector<400x1xf32>
    %eq3A_28 = arith.cmpf oeq, %broadcast_in_dim3A_13, %eq3A_27 : vector<400x1xf32>
    %mul3A = arith.mulf %get3A_25, %broadcast_in_dim3A_22 : vector<400x1xf32>
    %jit3A_29 = arith.constant 1.000000e+00 : f32
    %broadcast_in_dim3A_30 = vector.broadcast %jit3A_29 : f32 to vector<400x1xf32>
    %select_n3A_31 = arith.select %eq3A_28, %broadcast_in_dim3A_30, %broadcast_in_dim3A_13 : vector<400x1xi1>, vector<400x1xf32>
    %div3A = arith.divf %mul3A, %select_n3A_31 : vector<400x1xf32>
    %jit3A_32 = arith.constant 0.000000e+00 : f32
    %broadcast_in_dim3A_33 = vector.broadcast %jit3A_32 : f32 to vector<400x1xf32>
    %select_n3A_34 = arith.select %eq3A_28, %broadcast_in_dim3A_33, %div3A : vector<400x1xi1>, vector<400x1xf32>
    %mul3A_35 = vector.broadcast %select_n3A_34 : vector<400x1xf32> to vector<400x128xf32>
    %mul3A_36 = arith.mulf %mul3A_35, %slice3A : vector<400x128xf32>
    %get3A_37 = arith.constant 0 : index
    %get3A_38 = arith.constant 0 : index
    %get3A_39 = vector.load %arg3[%get3A_37, %get3A_38] : memref<128x128xf32, #tpu.memory_space<vmem>>, vector<128x128xf32>
    %dot_general3A = arith.constant dense<0.000000e+00> : vector<400x128xf32>
    %dot_general3A_40 = tpu.matmul %mul3A_36, %get3A_39, %dot_general3A {dimension_numbers = #tpu.dot_dimension_numbers<[1], [1], [0], [0], [0, 0, 1, 0], [], []>, transpose_lhs_hint = false} : vector<400x128xf32>, vector<128x128xf32>, vector<400x128xf32> -> vector<400x128xf32>
    %get3A_41 = arith.constant 0 : index
    %get3A_42 = arith.constant 0 : index
    %get3A_43 = vector.load %arg4[%get3A_41, %get3A_42] : memref<1x128xf32, #tpu.memory_space<vmem>>, vector<1x128xf32>
    %add3A_44 = vector.broadcast %get3A_43 : vector<1x128xf32> to vector<400x128xf32>
    %add3A_45 = arith.addf %dot_general3A_40, %add3A_44 : vector<400x128xf32>
    %swap3A = arith.constant 0 : index
    %swap3A_46 = arith.constant 0 : index
    %swap3A_47 = vector.load %arg5[%swap3A, %swap3A_46] : memref<400x128xf32, #tpu.memory_space<vmem>>, vector<400x128xf32>
    tpu.vector_store %arg5[%swap3A, %swap3A_46], %add3A_45 {strides = array<i32>} : memref<400x128xf32, #tpu.memory_space<vmem>>, vector<400x128xf32>,
    return
  }
  func.func @transform_0(%arg0: i32) -> (i32, i32, i32) {
    %c0_i32 = arith.constant 0 : i32
    %c0_i32_0 = arith.constant 0 : i32
    %c0_i32_1 = arith.constant 0 : i32
    return %c0_i32, %arg0, %c0_i32_0 : i32, i32, i32
  }
  func.func @transform_1(%arg0: i32) -> (i32, i32) {
    %c0_i32 = arith.constant 0 : i32
    %c0_i32_0 = arith.constant 0 : i32
    return %arg0, %c0_i32 : i32, i32
  }
  func.func @transform_2(%arg0: i32) -> (i32, i32) {
    %c0_i32 = arith.constant 0 : i32
    %c0_i32_0 = arith.constant 0 : i32
    %c0_i32_1 = arith.constant 0 : i32
    return %c0_i32, %c0_i32_0 : i32, i32
  }
  func.func @transform_3(%arg0: i32) -> (i32, i32) {
    %c0_i32 = arith.constant 0 : i32
    %c0_i32_0 = arith.constant 0 : i32
    %c0_i32_1 = arith.constant 0 : i32
    return %c0_i32, %c0_i32_0 : i32, i32
  }
  func.func @transform_4(%arg0: i32) -> (i32, i32) {
    %c0_i32 = arith.constant 0 : i32
    %c0_i32_0 = arith.constant 0 : i32
    return %arg0, %c0_i32 : i32, i32
  }
}

</mosaic_0001>

<sc_bundles>
// kernel: kernel.6.cloned.1.call-start
scs
__scs_entry_jumppad:
0x0: {  	(pc) =	sbr.rel $0x88, $3  }
0x1: {  	(tag) =	ssettag $0x0;
	lr =	simm.s32 $0x1  }
0x2: {  	[smem:$0x3F9C] =	sst lr;
	_ =	strace $0xD0000000  }
0x3: {  	_ = 	snop  }
0x4: {  	_ = 	snop  }
0x5: {  	_ = 	snop  }
0x6: {  	_ = 	snop  }
0x7: {  	_ = 	snop  }
__scs_overlays_trampoline_lowered:
0x8: {  	[smem:$0x3FAB] =	sst s0  }
0x9: {  	[smem:$0x3FAC] =	sst s1  }
0xa: {  	[smem:$0x3FAD] =	sst s2  }
0xb: {  	[smem:$0x3FAE] =	sst s3  }
0xc: {  	[smem:$0x3FAF] =	sst s4  }
0xd: {  	[smem:$0x3FB0] =	sst s5  }
0xe: {  	[smem:$0x3FB1] =	sst s6  }
0xf: {  	[smem:$0x3FB2] =	sst s7  }
0x10: {  	[smem:$0x3FB3] =	sst s8  }
0x11: {  	[smem:$0x3FB4] =	sst s9;
	s0 =	simm.s32 @!p0 $0x0  }
0x12: {  	s1 =	sld [smem:$0x3F9A];
	s0 =	simm.s32 @p0 $0x1  }
0x13: {  	[smem:$0x3FB5] =	sst s0;
	s0 =	simm.s32 @!p1 $0x0  }
0x14: {  	s2 =	sld [smem:$0x3F99];
	s0 =	simm.s32 @p1 $0x1  }
0x15: {  	[smem:$0x3FB6] =	sst s0;
	s0 =	simm.s32 @!p2 $0x0  }
0x16: {  	s3 =	sld [smem:$0x3FDB];
	s0 =	simm.s32 @p2 $0x1  }
0x17: {  	s4 =	simm.s32 $0x1BF5;
	[smem:$0x3FB8] =	sst s0  }
0x18: {  	s0 =	sld [smem:$0x3F9B];
	_ =	swait.ge [sflag:s4], $0x0  }
0x19: {  	s7 =	sld [smem:$0x3F9C]  }
0x1a: {  	s8 =	sadd.s32 $0xFFFFE003, lr  }
0x1b: {  	s9 =	sadd.s32 $0xFFFFFEF7, lr;
	s5 =	simm.s32 $0xFFFFFFFF;
	p2 =	slt.u32 s8, $0xFFFFF086  }
0x1c: {  	p1 =	slt.u32 s9, $0xF7A;
	s5 =	simm.s32 @!p2 $0x0  }
0x1d: {  	s5 =	simm.s32 @p1 $0x1;
	p0 =	seq.s32 s7, s2  }
0x1e: {  	s7 =	smul.u32 @!p0 $0xF7A, s2;
	p2 =	seq.s32 @!p0 s5, $0x0  }
0x1f: {  	s9 =	smul.u32 $0xF7A, s1;
	s8 =	simm.s32 @!p0 $0x1BF5;
	p2 =	por !p2, p0  }
0x20: {  	[sflag:s8] =	ssyncset.s32 @!p0 $0xFFFFF086;
	s6 =	sadd.s32 @!p0 s3, s7;
	s7 =	simm.s32 @!p0 $0x108  }
0x21: {  	s3 =	sadd.s32 s3, s9;
	s6 =	sadd.s32 @!p0 $0x88, s6;
	s7 =	simm.s32 @p2 $0x1082  }
0x22: {  	[simem:s7], [sflag:s8] =	dma.local @!p0 [hbm:s6], $0xF7A  }
0x23: {  	s9 =	sor.u32 $0xD0000000, s2;
	s6 =	simm.s32 $0x108;
	_ =	swait.ge @!p0 [sflag:s8], $0x0  }
0x24: {  	s3 =	sadd.s32 $0x88, s3;
	s6 =	simm.s32 @!p1 $0x1082;
	[sflag:s4] =	ssyncset.s32 $0xFFFFF086  }
0x25: {  	[simem:s6], [sflag:s4] =	dma.local [hbm:s3], $0xF7A  }
0x26: {  	[smem:$0x3F9C] =	sst s1;
	(tag) =	ssettag s2;
	_ =	strace s9  }
0x27: {  	s1 =	sld [smem:$0x3FAC]  }
0x28: {  	s2 =	sld [smem:$0x3FAD]  }
0x29: {  	s4 =	sld [smem:$0x3FAF]  }
0x2a: {  	p0 =	seq.s32 s5, $0x0;
	s5 =	sld [smem:$0x3FB0]  }
0x2b: {  	s6 =	sld [smem:$0x3FB1]  }
0x2c: {  	s7 =	sld [smem:$0x3FB2]  }
0x2d: {  	s3 =	simm.s32 $0x108;
	s8 =	sld [smem:$0x3FB3]  }
0x2e: {  	s3 =	simm.s32 @!p0 $0x1082;
	s9 =	sld [smem:$0x3FB4]  }
0x2f: {  	lr =	sadd.s32 s0, s3;
	s0 =	sld [smem:$0x3FAB]  }
0x30: {  	s3 =	sld [smem:$0x3FAE]  }
0x31: {  	[smem:$0x3FB7] =	sst s10  }
0x32: {  	s10 =	sld [smem:$0x3FB5];
	_ =	sdelay $0x3  }
0x33: {  	p0 =	seq.s32 s10, $0x1;
	s10 =	sld [smem:$0x3FB7];
	_ =	sdelay $0x3  }
0x34: {  	[smem:$0x3FB7] =	sst s10  }
0x35: {  	s10 =	sld [smem:$0x3FB6];
	_ =	sdelay $0x3  }
0x36: {  	p1 =	seq.s32 s10, $0x1;
	s10 =	sld [smem:$0x3FB7];
	_ =	sdelay $0x3  }
0x37: {  	[smem:$0x3FB7] =	sst s10  }
0x38: {  	s10 =	sld [smem:$0x3FB8]  }
0x39: {  	_ = 	snop;
	(pc) =	sbr.ind lr, $3  }
0x3a: {  	_ = 	snop  }
0x3b: {  	_ = 	snop  }
0x3c: {  	p2 =	seq.s32 s10, $0x1;
	s10 =	sld [smem:$0x3FB7]  }
0x3d: {  	_ =	shalt  }
0x3e: {  	_ =	shalt  }
0x3f: {  	_ =	shalt  }
0x40: {  	_ =	shalt  }
0x41: {  	_ =	shalt  }
0x42: {  	_ =	shalt  }
0x43: {  	_ =	shalt  }
0x44: {  	_ =	shalt  }
0x45: {  	_ =	shalt  }
0x46: {  	_ =	shalt  }
0x47: {  	_ =	shalt  }
0x48: {  	_ =	shalt  }
0x49: {  	_ =	shalt  }
0x4a: {  	_ =	shalt  }
0x4b: {  	_ =	shalt  }
0x4c: {  	_ =	shalt  }
0x4d: {  	_ =	shalt  }
0x4e: {  	_ =	shalt  }
0x4f: {  	_ =	shalt  }
0x50: {  	_ =	shalt  }
0x51: {  	_ =	shalt  }
0x52: {  	_ =	shalt  }
0x53: {  	_ =	shalt  }
0x54: {  	_ =	shalt  }
0x55: {  	_ =	shalt  }
0x56: {  	_ =	shalt  }
0x57: {  	_ =	shalt  }
0x58: {  	_ =	shalt  }
0x59: {  	_ =	shalt  }
0x5a: {  	_ =	shalt  }
0x5b: {  	_ =	shalt  }
0x5c: {  	_ =	shalt  }
0x5d: {  	_ =	shalt  }
0x5e: {  	_ =	shalt  }
0x5f: {  	_ =	shalt  }
0x60: {  	_ =	shalt  }
0x61: {  	_ =	shalt  }
0x62: {  	_ =	shalt  }
0x63: {  	_ =	shalt  }
0x64: {  	_ =	shalt  }
0x65: {  	_ =	shalt  }
0x66: {  	_ =	shalt  }
0x67: {  	_ =	shalt  }
0x68: {  	_ =	shalt  }
0x69: {  	_ =	shalt  }
0x6a: {  	_ =	shalt  }
0x6b: {  	_ =	shalt  }
0x6c: {  	_ =	shalt  }
0x6d: {  	_ =	shalt  }
0x6e: {  	_ =	shalt  }
0x6f: {  	_ =	shalt  }
0x70: {  	_ =	shalt  }
0x71: {  	_ =	shalt  }
0x72: {  	_ =	shalt  }
0x73: {  	_ =	shalt  }
0x74: {  	_ =	shalt  }
0x75: {  	_ =	shalt  }
0x76: {  	_ =	shalt  }
0x77: {  	_ =	shalt  }
0x78: {  	_ =	shalt  }
0x79: {  	_ =	shalt  }
0x7a: {  	_ =	shalt  }
0x7b: {  	_ =	shalt  }
0x7c: {  	_ =	shalt  }
0x7d: {  	_ =	shalt  }
0x7e: {  	_ =	shalt  }
0x7f: {  	_ =	shalt  }
0x80: {  	_ =	shalt  }
0x81: {  	_ =	shalt  }
0x82: {  	_ =	shalt  }
0x83: {  	_ =	shalt  }
0x84: {  	_ =	shalt  }
0x85: {  	_ =	shalt  }
0x86: {  	_ =	shalt  }
0x87: {  	_ =	shalt  }
.Lfunc_end0:
.L_simem_size_0:
called_computation_lowered:
.L_overlay_start_0:
0x88: {  	s2 =	sld [smem:$0x3FD9]  }
0x89: {  	s3 =	sld [smem:$0x3FFE];
	_ =	sdelay $0x1  }
0x8a: {  	s1 =	srdreg.scid  }
0x8b: {  	s0 =	sand.u32 $0x1, s1  }
0x8c: {  	s16 =	sshll.u32 s0, $0xA;
	s2 =	sadd.s32 s3, s2  }
0x8d: {  	s2 =	sadd.s32 s2, s16  }
0x8e: {  	[smem:$0x3FC3] =	sst s2  }
0x8f: {  	_ = 	snop  }
0x90: {  	(tm) =	ssettm $0x1  }
0x91: {  	s17 =	sld [smem:$0x3FFB];
	_ =	sdelay $0x3  }
0x92: {  	_ =	strace s17  }
0x93: {  	s2 =	sld [smem:$0x3FFC];
	_ =	sdelay $0x3  }
0x94: {  	_ =	strace s2  }
0x95: {  	s2 =	sld [smem:$0x3FFD];
	_ =	sdelay $0x3  }
0x96: {  	_ =	strace s2  }
0x97: {  	_ =	strace $0x8FFFFFFF  }
0x98: {  	s18 =	sld [smem:$0x3FDB];
	_ =	sdelay $0x1  }
0x99: {  	s19 =	simm.s32 $_scs_section_size  }
0x9a: {  	s4 =	simm.s32 $_size__tile_overlayer_lowered;
	s5 =	simm.s32 $_tile_overlayer_lowered  }
0x9b: {  	s22 =	simm.s32 $0x1BFF;
	s21 =	sshll.u32 s5, $0x1;
	s2 =	sadd.s32 s19, s18  }
0x9c: {  	s6 =	simm.s32 $0x0;
	s20 =	sshll.u32 s4, $0x1;
	s4 =	sadd.s32 s21, s2  }
0x9d: {  	[timem:s6], [sflag:s22] =	dma.local [hbm:s4], s20  }
0x9e: {  	_ =	swait.ge [sflag:s22], s20  }
0x9f: {  	s3 =	ssub.s32 $0x0, s20;
	[sflag:s22] =	ssyncset.done $0x0  }
0xa0: {  	[sflag:s22] =	ssyncadd.s32 s3;
	_ =	sdelay $0x1  }
0xa1: {  	s23 =	simm.s32 $0x1B8B  }
0xa2: {  	_ =	swait.ge [sflag:s23], $0x1  }
0xa3: {  	[sflag:s23] =	ssyncset.done $0x0  }
0xa4: {  	s25 =	simm.s32 $0x1B8E;
	s24 =	sld [smem:$0x3FFE];
	[sflag:s23] =	ssyncadd.s32 $0xFFFFFFFF  }
0xa5: {  	s26 =	simm.s32 $execute0_lowered;
	[smem:$0x3FD2] =	sst s25  }
0xa6: {  	s4 =	sshll.u32 s26, $0x1;
	_ =	strace $0x80000046;
	[dreg:$0x1] =	wrdreg $0xFFFFFFFF  }
0xa7: {  	s28 =	simm.s32 $_size_execute0_lowered;
	s2 =	sadd.s32 s2, s4;
	[dreg:$0x0] =	wrdreg $0x0  }
0xa8: {  	s4 =	sshll.u32 s28, $0x1;
	[dreg:$0x2] =	wrdreg s2  }
0xa9: {  	[dreg:$0x3] =	wrdreg s4  }
0xaa: {  	[dreg:$0x4] =	wrdreg $0xC0  }
0xab: {  	_ =	task [dreg:s6], $0x5FFFF  }
0xac: {  	[dreg:$0x1] =	wrdreg $0xFFFFFFFF  }
0xad: {  	[dreg:$0x0] =	wrdreg $0x60  }
0xae: {  	[dreg:$0x2] =	wrdreg s24  }
0xaf: {  	[dreg:$0x3] =	wrdreg $0x2C100  }
0xb0: {  	[dreg:$0x4] =	wrdreg $0x9  }
0xb1: {  	_ =	task.clear_ibuf [dreg:s6], $0x5FFFF;
	_ =	strace $0x90000046  }
0xb2: {  	s29 =	simm.s32 $0x9;
	_ =	strace $0x80000048  }
0xb3: {  	_ =	swait.ge [sflag:s29], $0x1  }
0xb4: {  	[sflag:s29] =	ssyncadd.s32 $0xFFFFFFFF  }
0xb5: {  	_ =	strace $0x90000048  }
0xb6: {  	_ =	sfence  }
0xb7: {  	s30 =	sld [smem:$0x0];
	_ =	sdelay $0x2  }
0xb8: {  	s31 =	sshll.u32 s1, $0xD;
	s1 =	sshrl.u32 s1, $0x2  }
0xb9: {  	s3 =	sand.u32 $0x4000, s31;
	s1 =	sadd.s32 s1, s30  }
0xba: {  	s0 =	sor.u32 s3, s0;
	s1 =	sshll.u32 s1, $0x11  }
0xbb: {  	s0 =	sor.u32 s1, s0  }
0xbc: {  	s0 =	sadd.s32 $0x8F2B, s0  }
0xbd: {  	[sflag:s0] =	ssyncadd.remote.s32 $0x1  }
0xbe: {  	_ =	sfence.sel $0xFFFF  }
0xbf: {  	[dreg:$0x0] =	wrdreg $0xFFFFFFFF;
	(pc) =	sbr.abs _section_cstart, $3  }
0xc0: {  	[dreg:$0x1] =	wrdreg $0xFFFFFFFF  }
0xc1: {  	_ =	task.clear_ibuf [dreg:s6], $0x2FFFF;
	_ =	strace $0x9FFFFFFF  }
0xc2: {  	(tm) =	ssettm $0x7FFFFFFF  }
0xc3: {  	_ =	shalt  }
tec
execute0_lowered:
.L_overlay_start_1:
0x0: {  	(tag) =	ssettag $0x1  }
0x1: {  	s5 =	rddreg [dreg:$0x0];
	s0 =	srdreg.scid  }
0x2: {  	s8 =	stileid.u32;
	s1 =	rddreg [dreg:$0x1];
	s2 =	simm.s32 $0x0  }
0x3: {  	s11 =	simm.s32 $0x50;
	s3 =	sand.u32 $0x1, s0;
	s0 =	rddreg [dreg:$0x2]  }
0x4: {  	s12 =	simm.s32 $0x0;
	s4 =	sshll.u32 s8, $0x1;
	[smem:$0x7FF] =	sst s2  }
0x5: {  	p0 =	sne.s32 s8, $0x0;
	s8 =	simm.s32 $0x1;
	s4 =	sor.u32 s3, s4  }
0x6: {  	_ =	strace $0x80000047;
	s6 =	smul.u32 $0x4E20, s3;
	s7 =	ssub.s32 $0x2, s3  }
0x7: {  	s3 =	sadd.s32 $0xFE00, s5;
	s4 =	smul.u32 $0x4E2, s4;
	s10 =	sshrl.u32 s7, $0x1  }
0x8: {  	s6 =	sadd.s32 s6, s5;
	s7 =	ssub.s32 s7, s10;
	s10 =	sshrl.u32 @!p0 s1, $0x3  }
0x9: {  	s9 =	sadd.s32 s4, s5;
	s4 =	sadd.s32 $0xAE00, s5;
	s6 =	sadd.s32 $0x10000, s6  }
0xa: {  	s7 =	smax.u32 s7, $0x1;
	s5 =	sadd.s32 $0x1000, s9;
	s9 =	simm.s32 $0x2710  }
.LBB2_1:
0xb: {  	[tilespmem:s2], [sflag:$0x1] =	stream.linear.gather [hbm4b:s5+s2], $0x2710, $0x38;
	[tilespmem:$0x5320] =	vst v63  }
0xc: {  	_ =	swait.ge [sflag:s8], $0x2710  }
0xd: {  	[sflag:s8] =	ssyncset.done $0x0  }
0xe: {  	[sflag:s8] =	ssyncadd.s32 $0xFFFFD8F0  }
0xf: {  	[tilespmem:s9], [sflag:$0x1] =	stream.linear.gather [hbm4b:s3+s2], $0x500, $0x38;
	[tilespmem:$0x5320] =	vst v63  }
0x10: {  	_ =	swait.ge [sflag:s8], $0x500  }
0x11: {  	[sflag:s8] =	ssyncset.done $0x0  }
0x12: {  	s13 =	simm.s32 @!p0 $0x1C01;
	[sflag:s8] =	ssyncadd.s32 $0xFFFFFB00  }
0x13: {  	[spmem:s10], [sflag:s13] =	dma.local @!p0 [hbm:s4], $0x4E20  }
0x14: {  	s13 =	simm.s32 @!p0 $0x1  }
0x15: {  	_ =	swait.ge @!p0 [sflag:s13], $0x4E20  }
0x16: {  	[sflag:s13] =	ssyncset.done @!p0 $0x0  }
0x17: {  	[sflag:s13] =	ssyncadd.s32 @!p0 $0xFFFFB1E0  }
0x18: {  	s31 =	simm.s32 $0x0;
	[bflag:$0x0] =	sbarrier.arrive $0xFFFF  }
0x19: {  	[spmem:s1] =	stream.indirect.scatter.add.f32 [tilespmem:s9], [sflag:$0x1], $0x10, s31, s11, $0xb8;
	[tilespmem:$0x5320] =	vst v63  }
0x1a: {  	_ =	swait.ge [sflag:s8], $0x500  }
0x1b: {  	s13 =	simm.s32 $0x140;
	[sflag:s8] =	ssyncset.done $0x0  }
.LBB2_2:
0x1c: {  	s14 =	sshra.s32 s13, $0x2;
	[sflag:s8] =	ssyncadd.s32 $0xFFFFFB00;
	p1 =	sne.s32 s13, $0x9B00  }
0x1d: {  	[spmem:s1] =	stream.indirect.scatter.add.f32 [tilespmem:s9], [sflag:$0x1], $0x10, s14, s11, $0xb8;
	[tilespmem:$0x5320] =	vst v63  }
.Ltmp0:
0x1e: {  	_ = 	snop;
	(pc) =	sbr.rel @p1 .LBB2_2-.Ltmp0, $4  }
0x1f: {  	_ = 	snop  }
0x20: {  	s13 =	sadd.s32 $0x140, s13  }
0x21: {  	_ =	swait.ge [sflag:s8], $0x500  }
0x22: {  	[sflag:s8] =	ssyncset.done $0x0  }
0x23: {  	[sflag:s8] =	ssyncadd.s32 $0xFFFFFB00;
	s12 =	sadd.s32 $0x1, s12  }
0x24: {  	s13 =	simm.s32 @!p0 $0x1C01;
	[bflag:$0x0] =	sbarrier.arrive $0xFFFF;
	p1 =	sne.s32 s12, s7  }
0x25: {  	[hbm:s6], [sflag:s13] =	dma.local @!p0 [spmem:s10], $0x4E20  }
.Ltmp1:
0x26: {  	_ = 	snop;
	(pc) =	sbr.rel @p1 .LBB2_1-.Ltmp1, $4  }
0x27: {  	s13 =	simm.s32 @!p0 $0x1  }
0x28: {  	_ =	swait.ge @!p0 [sflag:s13], $0x4E20  }
0x29: {  	[sflag:s13] =	ssyncset.done @!p0 $0x0  }
0x2a: {  	[sflag:s13] =	ssyncadd.s32 @!p0 $0xFFFFB1E0  }
0x2b: {  	_ =	sfence.sel $0x180000  }
0x2c: {  	[bflag:$0x0] =	sbarrier.arrive $0xFFFF  }
0x2d: {  	_ =	strace $0x90000047  }
0x2e: {  	s0 =	sadd.s32 @!p0 $0x100000, s0;
	[bflag:$0x2] =	sbarrier.arrive $0xFFFF  }
0x2f: {  	[sflag:s0] =	ssyncadd.tile.s32 @!p0 $0x1;
	_ =	shalt  }
.Lfunc_end2:
_tile_overlayer_lowered:
.L_overlay_start_2:
0x30: {  	(tag) =	ssettag $0x2  }
0x31: {  	s0 =	rddreg [dreg:$0x0];
	s2 =	stileid.u32  }
0x32: {  	s1 =	rddreg [dreg:$0x1];
	p0 =	sne.s32 s2, $0x0  }
0x33: {  	s3 =	rddreg [dreg:$0x2];
	[bflag:$0x3] =	sbarrier.arrive $0xFFFF;
	s2 =	simm.s32 @!p0 $0x1C01  }
0x34: {  	[timem:s3], [sflag:s2] =	dma.local @!p0 [hbm:s0], s1  }
0x35: {  	s0 =	simm.s32 @!p0 $0x1  }
0x36: {  	_ =	swait.ge @!p0 [sflag:s0], s1  }
0x37: {  	s1 =	ssub.s32 @!p0 $0x0, s1;
	[sflag:s0] =	ssyncset.done @!p0 $0x0  }
0x38: {  	[sflag:s0] =	ssyncadd.s32 @!p0 s1  }
0x39: {  	[bflag:$0x3] =	sbarrier.arrive $0xFFFF  }
0x3a: {  	_ =	shalt  }

// kernel: kernel.9.cloned.1.call-start
scs
__scs_entry_jumppad:
0x0: {  	(pc) =	sbr.rel $0x88, $3  }
0x1: {  	(tag) =	ssettag $0x0;
	lr =	simm.s32 $0x1  }
0x2: {  	[smem:$0x3F9C] =	sst lr;
	_ =	strace $0xD0000000  }
0x3: {  	_ = 	snop  }
0x4: {  	_ = 	snop  }
0x5: {  	_ = 	snop  }
0x6: {  	_ = 	snop  }
0x7: {  	_ = 	snop  }
__scs_overlays_trampoline_lowered:
0x8: {  	[smem:$0x3FAB] =	sst s0  }
0x9: {  	[smem:$0x3FAC] =	sst s1  }
0xa: {  	[smem:$0x3FAD] =	sst s2  }
0xb: {  	[smem:$0x3FAE] =	sst s3  }
0xc: {  	[smem:$0x3FAF] =	sst s4  }
0xd: {  	[smem:$0x3FB0] =	sst s5  }
0xe: {  	[smem:$0x3FB1] =	sst s6  }
0xf: {  	[smem:$0x3FB2] =	sst s7  }
0x10: {  	[smem:$0x3FB3] =	sst s8  }
0x11: {  	[smem:$0x3FB4] =	sst s9;
	s0 =	simm.s32 @!p0 $0x0  }
0x12: {  	s1 =	sld [smem:$0x3F9A];
	s0 =	simm.s32 @p0 $0x1  }
0x13: {  	[smem:$0x3FB5] =	sst s0;
	s0 =	simm.s32 @!p1 $0x0  }
0x14: {  	s2 =	sld [smem:$0x3F99];
	s0 =	simm.s32 @p1 $0x1  }
0x15: {  	[smem:$0x3FB6] =	sst s0;
	s0 =	simm.s32 @!p2 $0x0  }
0x16: {  	s3 =	sld [smem:$0x3FDB];
	s0 =	simm.s32 @p2 $0x1  }
0x17: {  	s4 =	simm.s32 $0x1BF5;
	[smem:$0x3FB8] =	sst s0  }
0x18: {  	s0 =	sld [smem:$0x3F9B];
	_ =	swait.ge [sflag:s4], $0x0  }
0x19: {  	s7 =	sld [smem:$0x3F9C]  }
0x1a: {  	s8 =	sadd.s32 $0xFFFFE003, lr  }
0x1b: {  	s9 =	sadd.s32 $0xFFFFFEF7, lr;
	s5 =	simm.s32 $0xFFFFFFFF;
	p2 =	slt.u32 s8, $0xFFFFF086  }
0x1c: {  	p1 =	slt.u32 s9, $0xF7A;
	s5 =	simm.s32 @!p2 $0x0  }
0x1d: {  	s5 =	simm.s32 @p1 $0x1;
	p0 =	seq.s32 s7, s2  }
0x1e: {  	s7 =	smul.u32 @!p0 $0xF7A, s2;
	p2 =	seq.s32 @!p0 s5, $0x0  }
0x1f: {  	s9 =	smul.u32 $0xF7A, s1;
	s8 =	simm.s32 @!p0 $0x1BF5;
	p2 =	por !p2, p0  }
0x20: {  	[sflag:s8] =	ssyncset.s32 @!p0 $0xFFFFF086;
	s6 =	sadd.s32 @!p0 s3, s7;
	s7 =	simm.s32 @!p0 $0x108  }
0x21: {  	s3 =	sadd.s32 s3, s9;
	s6 =	sadd.s32 @!p0 $0x88, s6;
	s7 =	simm.s32 @p2 $0x1082  }
0x22: {  	[simem:s7], [sflag:s8] =	dma.local @!p0 [hbm:s6], $0xF7A  }
0x23: {  	s9 =	sor.u32 $0xD0000000, s2;
	s6 =	simm.s32 $0x108;
	_ =	swait.ge @!p0 [sflag:s8], $0x0  }
0x24: {  	s3 =	sadd.s32 $0x88, s3;
	s6 =	simm.s32 @!p1 $0x1082;
	[sflag:s4] =	ssyncset.s32 $0xFFFFF086  }
0x25: {  	[simem:s6], [sflag:s4] =	dma.local [hbm:s3], $0xF7A  }
0x26: {  	[smem:$0x3F9C] =	sst s1;
	(tag) =	ssettag s2;
	_ =	strace s9  }
0x27: {  	s1 =	sld [smem:$0x3FAC]  }
0x28: {  	s2 =	sld [smem:$0x3FAD]  }
0x29: {  	s4 =	sld [smem:$0x3FAF]  }
0x2a: {  	p0 =	seq.s32 s5, $0x0;
	s5 =	sld [smem:$0x3FB0]  }
0x2b: {  	s6 =	sld [smem:$0x3FB1]  }
0x2c: {  	s7 =	sld [smem:$0x3FB2]  }
0x2d: {  	s3 =	simm.s32 $0x108;
	s8 =	sld [smem:$0x3FB3]  }
0x2e: {  	s3 =	simm.s32 @!p0 $0x1082;
	s9 =	sld [smem:$0x3FB4]  }
0x2f: {  	lr =	sadd.s32 s0, s3;
	s0 =	sld [smem:$0x3FAB]  }
0x30: {  	s3 =	sld [smem:$0x3FAE]  }
0x31: {  	[smem:$0x3FB7] =	sst s10  }
0x32: {  	s10 =	sld [smem:$0x3FB5];
	_ =	sdelay $0x3  }
0x33: {  	p0 =	seq.s32 s10, $0x1;
	s10 =	sld [smem:$0x3FB7];
	_ =	sdelay $0x3  }
0x34: {  	[smem:$0x3FB7] =	sst s10  }
0x35: {  	s10 =	sld [smem:$0x3FB6];
	_ =	sdelay $0x3  }
0x36: {  	p1 =	seq.s32 s10, $0x1;
	s10 =	sld [smem:$0x3FB7];
	_ =	sdelay $0x3  }
0x37: {  	[smem:$0x3FB7] =	sst s10  }
0x38: {  	s10 =	sld [smem:$0x3FB8]  }
0x39: {  	_ = 	snop;
	(pc) =	sbr.ind lr, $3  }
0x3a: {  	_ = 	snop  }
0x3b: {  	_ = 	snop  }
0x3c: {  	p2 =	seq.s32 s10, $0x1;
	s10 =	sld [smem:$0x3FB7]  }
0x3d: {  	_ =	shalt  }
0x3e: {  	_ =	shalt  }
0x3f: {  	_ =	shalt  }
0x40: {  	_ =	shalt  }
0x41: {  	_ =	shalt  }
0x42: {  	_ =	shalt  }
0x43: {  	_ =	shalt  }
0x44: {  	_ =	shalt  }
0x45: {  	_ =	shalt  }
0x46: {  	_ =	shalt  }
0x47: {  	_ =	shalt  }
0x48: {  	_ =	shalt  }
0x49: {  	_ =	shalt  }
0x4a: {  	_ =	shalt  }
0x4b: {  	_ =	shalt  }
0x4c: {  	_ =	shalt  }
0x4d: {  	_ =	shalt  }
0x4e: {  	_ =	shalt  }
0x4f: {  	_ =	shalt  }
0x50: {  	_ =	shalt  }
0x51: {  	_ =	shalt  }
0x52: {  	_ =	shalt  }
0x53: {  	_ =	shalt  }
0x54: {  	_ =	shalt  }
0x55: {  	_ =	shalt  }
0x56: {  	_ =	shalt  }
0x57: {  	_ =	shalt  }
0x58: {  	_ =	shalt  }
0x59: {  	_ =	shalt  }
0x5a: {  	_ =	shalt  }
0x5b: {  	_ =	shalt  }
0x5c: {  	_ =	shalt  }
0x5d: {  	_ =	shalt  }
0x5e: {  	_ =	shalt  }
0x5f: {  	_ =	shalt  }
0x60: {  	_ =	shalt  }
0x61: {  	_ =	shalt  }
0x62: {  	_ =	shalt  }
0x63: {  	_ =	shalt  }
0x64: {  	_ =	shalt  }
0x65: {  	_ =	shalt  }
0x66: {  	_ =	shalt  }
0x67: {  	_ =	shalt  }
0x68: {  	_ =	shalt  }
0x69: {  	_ =	shalt  }
0x6a: {  	_ =	shalt  }
0x6b: {  	_ =	shalt  }
0x6c: {  	_ =	shalt  }
0x6d: {  	_ =	shalt  }
0x6e: {  	_ =	shalt  }
0x6f: {  	_ =	shalt  }
0x70: {  	_ =	shalt  }
0x71: {  	_ =	shalt  }
0x72: {  	_ =	shalt  }
0x73: {  	_ =	shalt  }
0x74: {  	_ =	shalt  }
0x75: {  	_ =	shalt  }
0x76: {  	_ =	shalt  }
0x77: {  	_ =	shalt  }
0x78: {  	_ =	shalt  }
0x79: {  	_ =	shalt  }
0x7a: {  	_ =	shalt  }
0x7b: {  	_ =	shalt  }
0x7c: {  	_ =	shalt  }
0x7d: {  	_ =	shalt  }
0x7e: {  	_ =	shalt  }
0x7f: {  	_ =	shalt  }
0x80: {  	_ =	shalt  }
0x81: {  	_ =	shalt  }
0x82: {  	_ =	shalt  }
0x83: {  	_ =	shalt  }
0x84: {  	_ =	shalt  }
0x85: {  	_ =	shalt  }
0x86: {  	_ =	shalt  }
0x87: {  	_ =	shalt  }
.Lfunc_end0:
.L_simem_size_0:
called_computation.1_lowered:
.L_overlay_start_0:
0x88: {  	s2 =	sld [smem:$0x3FD9]  }
0x89: {  	s3 =	sld [smem:$0x3FFE];
	_ =	sdelay $0x1  }
0x8a: {  	s1 =	srdreg.scid  }
0x8b: {  	s0 =	sand.u32 $0x1, s1  }
0x8c: {  	s17 =	sshll.u32 s0, $0xA;
	s2 =	sadd.s32 s3, s2  }
0x8d: {  	s2 =	sadd.s32 s2, s17  }
0x8e: {  	[smem:$0x3FC3] =	sst s2  }
0x8f: {  	_ = 	snop  }
0x90: {  	s2 =	sld [smem:$0x3FD0];
	(tm) =	ssettm $0x1  }
0x91: {  	s18 =	sld [smem:$0x3FFB];
	_ =	sdelay $0x3  }
0x92: {  	_ =	strace s18  }
0x93: {  	s3 =	sld [smem:$0x3FFC];
	_ =	sdelay $0x3  }
0x94: {  	_ =	strace s3  }
0x95: {  	s3 =	sld [smem:$0x3FFD];
	_ =	sdelay $0x3  }
0x96: {  	_ =	strace s3  }
0x97: {  	_ =	strace $0x8FFFFFFF  }
0x98: {  	s19 =	sld [smem:$0x3FDB];
	_ =	sdelay $0x1  }
0x99: {  	s4 =	simm.s32 $_scs_section_size  }
0x9a: {  	s5 =	simm.s32 $_size__tile_overlayer_lowered;
	s6 =	simm.s32 $_tile_overlayer_lowered  }
0x9b: {  	s22 =	simm.s32 $0x1BFF;
	s21 =	sshll.u32 s6, $0x1;
	s3 =	sadd.s32 s4, s19  }
0x9c: {  	s7 =	simm.s32 $0x0;
	s20 =	sshll.u32 s5, $0x1;
	s5 =	sadd.s32 s21, s3  }
0x9d: {  	[timem:s7], [sflag:s22] =	dma.local [hbm:s5], s20  }
0x9e: {  	_ =	swait.ge [sflag:s22], s20  }
0x9f: {  	s4 =	ssub.s32 $0x0, s20;
	[sflag:s22] =	ssyncset.done $0x0  }
0xa0: {  	[sflag:s22] =	ssyncadd.s32 s4;
	_ =	sdelay $0x1  }
0xa1: {  	s23 =	simm.s32 $0x1B8B  }
0xa2: {  	_ =	swait.ge [sflag:s23], $0x1  }
0xa3: {  	[sflag:s23] =	ssyncset.done $0x0  }
0xa4: {  	s25 =	simm.s32 $0x1B8E;
	s24 =	sld [smem:$0x3FFE];
	[sflag:s23] =	ssyncadd.s32 $0xFFFFFFFF  }
0xa5: {  	s26 =	simm.s32 $execute0_lowered;
	[smem:$0x3FD2] =	sst s25  }
0xa6: {  	s5 =	sshll.u32 s26, $0x1;
	_ =	strace $0x80000049;
	[dreg:$0x1] =	wrdreg $0xFFFFFFFF  }
0xa7: {  	s28 =	simm.s32 $_size_execute0_lowered;
	s3 =	sadd.s32 s3, s5;
	[dreg:$0x0] =	wrdreg $0x0  }
0xa8: {  	s5 =	sshll.u32 s28, $0x1;
	[dreg:$0x2] =	wrdreg s3  }
0xa9: {  	[dreg:$0x3] =	wrdreg s5  }
0xaa: {  	[dreg:$0x4] =	wrdreg $0xC0  }
0xab: {  	_ =	task [dreg:s7], $0x5FFFF  }
0xac: {  	[dreg:$0x1] =	wrdreg $0xFFFFFFFF  }
0xad: {  	[dreg:$0x0] =	wrdreg $0x60  }
0xae: {  	[dreg:$0x2] =	wrdreg s24  }
0xaf: {  	[dreg:$0x3] =	wrdreg s2  }
0xb0: {  	[dreg:$0x4] =	wrdreg $0x7B200  }
0xb1: {  	[dreg:$0x5] =	wrdreg $0x9  }
0xb2: {  	_ =	task.clear_ibuf [dreg:s7], $0x6FFFF;
	_ =	strace $0x90000049  }
0xb3: {  	s29 =	simm.s32 $0x9;
	_ =	strace $0x8000004B  }
0xb4: {  	_ =	swait.ge [sflag:s29], $0x1  }
0xb5: {  	[sflag:s29] =	ssyncadd.s32 $0xFFFFFFFF  }
0xb6: {  	_ =	strace $0x9000004B  }
0xb7: {  	_ =	sfence  }
0xb8: {  	s30 =	sld [smem:$0x0];
	_ =	sdelay $0x2  }
0xb9: {  	s31 =	sshll.u32 s1, $0xD;
	s1 =	sshrl.u32 s1, $0x2  }
0xba: {  	s3 =	sand.u32 $0x4000, s31;
	s1 =	sadd.s32 s1, s30  }
0xbb: {  	s0 =	sor.u32 s3, s0;
	s1 =	sshll.u32 s1, $0x11  }
0xbc: {  	s0 =	sor.u32 s1, s0  }
0xbd: {  	s0 =	sadd.s32 $0x8F2B, s0  }
0xbe: {  	[sflag:s0] =	ssyncadd.remote.s32 $0x1  }
0xbf: {  	_ =	sfence.sel $0xFFFF  }
0xc0: {  	[dreg:$0x0] =	wrdreg $0xFFFFFFFF;
	(pc) =	sbr.abs _section_cstart, $3  }
0xc1: {  	[dreg:$0x1] =	wrdreg $0xFFFFFFFF  }
0xc2: {  	_ =	task.clear_ibuf [dreg:s7], $0x2FFFF;
	_ =	strace $0x9FFFFFFF  }
0xc3: {  	(tm) =	ssettm $0x7FFFFFFF  }
tec
execute0_lowered:
.L_overlay_start_1:
0x0: {  	(tag) =	ssettag $0x1  }
0x1: {  	s5 =	rddreg [dreg:$0x0]  }
0x2: {  	s6 =	rddreg [dreg:$0x1];
	s0 =	srdreg.scid  }
0x3: {  	s9 =	stileid.u32;
	s1 =	rddreg [dreg:$0x2]  }
0x4: {  	s2 =	simm.s32 $0x0;
	s12 =	simm.s32 $0x50;
	s13 =	simm.s32 $0x4E20  }
0x5: {  	s14 =	simm.s32 $0x0;
	s4 =	sand.u32 $0x1, s0;
	s0 =	rddreg [dreg:$0x3]  }
0x6: {  	s3 =	sshll.u32 s9, $0x1;
	[smem:$0x7FF] =	sst s2;
	p0 =	sne.s32 s9, $0x0  }
0x7: {  	s9 =	simm.s32 $0x1;
	s3 =	sor.u32 s4, s3;
	s8 =	smul.u32 $0x2BF20, s4  }
0x8: {  	_ =	strace $0x8000004A;
	s11 =	ssub.s32 $0x2, s4;
	s7 =	smul.u32 $0x4E2, s3  }
0x9: {  	s4 =	sadd.s32 $0x36E00, s5;
	s3 =	sadd.s32 $0xAE00, s5;
	s31 =	sshrl.u32 s11, $0x1  }
0xa: {  	s8 =	sadd.s32 s8, s5;
	s11 =	ssub.s32 s11, s31;
	s10 =	sadd.s32 s7, s5  }
0xb: {  	s5 =	sadd.s32 s6, s7;
	s7 =	sadd.s32 $0x62E00, s8;
	s8 =	smax.u32 s11, $0x1  }
0xc: {  	s11 =	sshrl.u32 @!p0 s1, $0x3;
	s6 =	sadd.s32 $0x1000, s10;
	s10 =	simm.s32 $0x2710  }
.LBB2_1:
0xd: {  	[tilespmem:s2], [sflag:$0x1] =	stream.linear.gather [hbm4b:s5+s2], $0x2710, $0x38;
	[tilespmem:$0x1DAB0] =	vst v63  }
0xe: {  	_ =	swait.ge [sflag:s9], $0x2710  }
0xf: {  	[sflag:s9] =	ssyncset.done $0x0  }
0x10: {  	[sflag:s9] =	ssyncadd.s32 $0xFFFFD8F0  }
0x11: {  	[tilespmem:s10], [sflag:$0x1] =	stream.linear.gather [hbm4b:s6+s2], $0x2710, $0x38;
	[tilespmem:$0x1DAB0] =	vst v63  }
0x12: {  	_ =	swait.ge [sflag:s9], $0x2710  }
0x13: {  	[sflag:s9] =	ssyncset.done $0x0  }
0x14: {  	s15 =	simm.s32 @!p0 $0x1C01;
	[sflag:s9] =	ssyncadd.s32 $0xFFFFD8F0  }
0x15: {  	[spmem:s11], [sflag:s15] =	dma.local @!p0 [hbm:s4], $0x2BF20  }
0x16: {  	s15 =	simm.s32 @!p0 $0x1  }
0x17: {  	_ =	swait.ge @!p0 [sflag:s15], $0x2BF20  }
0x18: {  	[sflag:s15] =	ssyncset.done @!p0 $0x0  }
0x19: {  	[sflag:s15] =	ssyncadd.s32 @!p0 $0xFFFD40E0  }
0x1a: {  	s30 =	simm.s32 $0x0;
	[bflag:$0x0] =	sbarrier.arrive $0xFFFF  }
0x1b: {  	[tilespmem:s13], [sflag:$0x1] =	stream.indirect.gather [hbm4b:s3+s12], $0x90, s30, s12, $0xb8;
	[tilespmem:$0x1DAB0] =	vst v63  }
0x1c: {  	_ =	swait.ge [sflag:s9], $0x2D00  }
0x1d: {  	[sflag:s9] =	ssyncset.done $0x0  }
0x1e: {  	s31 =	simm.s32 $0x2710;
	[sflag:s9] =	ssyncadd.s32 $0xFFFFD300  }
0x1f: {  	[spmem:s1] =	stream.indirect.scatter.add.f32 [tilespmem:s13], [sflag:$0x1], $0x90, s31, s12, $0xb8;
	[tilespmem:$0x1DAB0] =	vst v63  }
0x20: {  	_ =	swait.ge [sflag:s9], $0x2D00  }
0x21: {  	s16 =	simm.s32 $0x280;
	s15 =	simm.s32 $0x140;
	[sflag:s9] =	ssyncset.done $0x0  }
.LBB2_2:
0x22: {  	s17 =	sshra.s32 s15, $0x2  }
0x23: {  	[sflag:s9] =	ssyncadd.s32 $0xFFFFD300;
	s15 =	smov.u32 s16;
	s18 =	sadd.s32 $0x140, s16  }
0x24: {  	[tilespmem:s13], [sflag:$0x1] =	stream.indirect.gather [hbm4b:s3+s12], $0x90, s17, s12, $0xb8;
	[tilespmem:$0x1DAB0] =	vst v63  }
0x25: {  	p1 =	sne.s32 s16, $0x9B00;
	_ =	swait.ge [sflag:s9], $0x2D00  }
.Ltmp0:
0x26: {  	[sflag:s9] =	ssyncset.done $0x0;
	(pc) =	sbr.rel @p1 .LBB2_2-.Ltmp0, $4  }
0x27: {  	s16 =	sadd.s32 $0x2710, s17;
	[sflag:s9] =	ssyncadd.s32 $0xFFFFD300  }
0x28: {  	[spmem:s1] =	stream.indirect.scatter.add.f32 [tilespmem:s13], [sflag:$0x1], $0x90, s16, s12, $0xb8;
	[tilespmem:$0x1DAB0] =	vst v63  }
0x29: {  	_ =	swait.ge [sflag:s9], $0x2D00  }
0x2a: {  	s16 =	smov.u32 s18;
	[sflag:s9] =	ssyncset.done $0x0  }
0x2b: {  	s15 =	sshra.s32 s15, $0x2;
	[sflag:s9] =	ssyncadd.s32 $0xFFFFD300  }
0x2c: {  	[tilespmem:s13], [sflag:$0x1] =	stream.indirect.gather [hbm4b:s3+s12], $0x90, s15, s12, $0xb8;
	[tilespmem:$0x1DAB0] =	vst v63  }
0x2d: {  	_ =	swait.ge [sflag:s9], $0x2D00  }
0x2e: {  	[sflag:s9] =	ssyncset.done $0x0  }
0x2f: {  	s15 =	sadd.s32 $0x2710, s15;
	[sflag:s9] =	ssyncadd.s32 $0xFFFFD300  }
0x30: {  	[spmem:s1] =	stream.indirect.scatter.add.f32 [tilespmem:s13], [sflag:$0x1], $0x90, s15, s12, $0xb8;
	[tilespmem:$0x1DAB0] =	vst v63  }
0x31: {  	_ =	swait.ge [sflag:s9], $0x2D00  }
0x32: {  	[sflag:s9] =	ssyncset.done $0x0  }
0x33: {  	s14 =	sadd.s32 $0x1, s14;
	[sflag:s9] =	ssyncadd.s32 $0xFFFFD300  }
0x34: {  	p1 =	sne.s32 s14, s8;
	s15 =	simm.s32 @!p0 $0x1C01;
	[bflag:$0x0] =	sbarrier.arrive $0xFFFF  }
0x35: {  	[hbm:s7], [sflag:s15] =	dma.local @!p0 [spmem:s11], $0x2BF20  }
.Ltmp1:
0x36: {  	_ = 	snop;
	(pc) =	sbr.rel @p1 .LBB2_1-.Ltmp1, $4  }
0x37: {  	s15 =	simm.s32 @!p0 $0x1  }
0x38: {  	_ =	swait.ge @!p0 [sflag:s15], $0x2BF20  }
0x39: {  	[sflag:s15] =	ssyncset.done @!p0 $0x0  }
0x3a: {  	[sflag:s15] =	ssyncadd.s32 @!p0 $0xFFFD40E0  }
0x3b: {  	_ =	sfence.sel $0x180000  }
0x3c: {  	[bflag:$0x0] =	sbarrier.arrive $0xFFFF  }
0x3d: {  	_ =	strace $0x9000004A  }
0x3e: {  	s0 =	sadd.s32 @!p0 $0x100000, s0;
	[bflag:$0x2] =	sbarrier.arrive $0xFFFF  }
0x3f: {  	[sflag:s0] =	ssyncadd.tile.s32 @!p0 $0x1;
	_ =	shalt  }
.Lfunc_end2:
_tile_overlayer_lowered:
.L_overlay_start_2:
0x40: {  	(tag) =	ssettag $0x2  }
0x41: {  	s0 =	rddreg [dreg:$0x0];
	s2 =	stileid.u32  }
0x42: {  	s1 =	rddreg [dreg:$0x1];
	p0 =	sne.s32 s2, $0x0  }
0x43: {  	s3 =	rddreg [dreg:$0x2];
	[bflag:$0x3] =	sbarrier.arrive $0xFFFF;
	s2 =	simm.s32 @!p0 $0x1C01  }
0x44: {  	[timem:s3], [sflag:s2] =	dma.local @!p0 [hbm:s0], s1  }
0x45: {  	s0 =	simm.s32 @!p0 $0x1  }
0x46: {  	_ =	swait.ge @!p0 [sflag:s0], s1  }
0x47: {  	s1 =	ssub.s32 @!p0 $0x0, s1;
	[sflag:s0] =	ssyncset.done @!p0 $0x0  }
0x48: {  	[sflag:s0] =	ssyncadd.s32 @!p0 s1  }
0x49: {  	[bflag:$0x3] =	sbarrier.arrive $0xFFFF  }
0x4a: {  	_ =	shalt  }

</sc_bundles>
